<compile_context>
chip_gen: v7x
topology: tpu7x:2x2x1
jax: 0.10.2.dev20260603
libtpu: 0.0.44.dev20260713+nightly
codegen_flags: <defaults>
</compile_context>

<pallas_src>
import functools

import jax
import jax.numpy as jnp
from jax import lax
from jax.experimental import pallas as pl
from jax.experimental.pallas import tpu as pltpu
from jax.experimental.pallas import tpu_sc as plsc

N_NODES = 10000
N_EDGES = 320000
IN_CH = 128
HID = 16
OUT_CH = 128

NC = 2
NS = 16
NW = NC * NS
L = 16

K = 128
CPT = 80
E_PAD = NW * CPT * K
NCHUNKS = E_PAD // K
G_ROWS = N_NODES + 8
PAD_SRC = N_NODES
ACC_ROWS = 10112
PAD_DST = N_NODES + 8
RPT = ACC_ROWS // NS


def _deg_body(dst2_hbm, deg_hbm, dbuf, hist):
    c = lax.axis_index("c")
    s = lax.axis_index("s")
    wid = c * NS + s

    @pl.loop(0, ACC_ROWS // L)
    def _zero(i):
        hist[pl.ds(i * L, L)] = jnp.zeros((L,), jnp.float32)

    pltpu.sync_copy(dst2_hbm.at[pl.ds(wid * CPT, CPT)], dbuf)

    @pl.loop(0, CPT)
    def _chunk(ci):
        for gi in range(K // L):
            idx = dbuf[ci, pl.ds(gi * L, L)]
            plsc.addupdate_scatter(hist, [idx], jnp.full((L,), 1.0, jnp.float32))

    pltpu.sync_copy(hist, deg_hbm.at[wid])


def _agg_body(g_hbm, src2_hbm, dst2_hbm, out_hbm, sbuf, dbuf, rows0, rows1,
              zbuf, acc, gsem0, gsem1, ssem0, ssem1):
    c = lax.axis_index("c")
    s = lax.axis_index("s")
    wid = c * NS + s

    @pl.loop(0, RPT)
    def _zero(i):
        zbuf[i, :] = jnp.zeros((L,), jnp.float32)

    pltpu.sync_copy(zbuf, acc.at[pl.ds(s * RPT, RPT)])
    pltpu.sync_copy(src2_hbm.at[pl.ds(wid * CPT, CPT)], sbuf)
    pltpu.sync_copy(dst2_hbm.at[pl.ds(wid * CPT, CPT)], dbuf)
    plsc.subcore_barrier()

    bufs = ((rows0, gsem0, ssem0), (rows1, gsem1, ssem1))

    pltpu.async_copy(g_hbm.at[sbuf.at[0]], rows0, gsem0)

    def _step(ci, par):
        rows, gsem, ssem = bufs[par]
        orows, ogsem, ossem = bufs[1 - par]
        pltpu.make_async_copy(g_hbm.at[sbuf.at[ci]], rows, gsem).wait()

        @pl.when(ci >= 1)
        def _():
            pltpu.make_async_copy(orows, acc.at[dbuf.at[ci - 1]], ossem).wait()

        @pl.when(ci + 1 < CPT)
        def _():
            pltpu.async_copy(g_hbm.at[sbuf.at[ci + 1]], orows, ogsem)

        pltpu.async_copy(rows, acc.at[dbuf.at[ci]], ssem, add=True)

    @pl.loop(0, CPT, step=2)
    def _chunk(ci):
        _step(ci, 0)
        _step(ci + 1, 1)

    pltpu.make_async_copy(rows1, acc.at[dbuf.at[CPT - 1]], ssem1).wait()

    plsc.subcore_barrier()
    pltpu.sync_copy(acc.at[pl.ds(s * RPT, RPT)], out_hbm.at[c, pl.ds(s * RPT, RPT)])


def _sc_mesh():
    return plsc.VectorSubcoreMesh(core_axis_name="c", subcore_axis_name="s")


def _deg_call(dst2):
    fn = pl.kernel(
        _deg_body,
        out_type=jax.ShapeDtypeStruct((NW, ACC_ROWS), jnp.float32),
        mesh=_sc_mesh(),
        scratch_types=[
            pltpu.VMEM((CPT, K), jnp.int32),
            pltpu.VMEM((ACC_ROWS,), jnp.float32),
        ],
        compiler_params=pltpu.CompilerParams(needs_layout_passes=False),
    )
    return fn(dst2)


def _agg_call(g, src2, dst2):
    fn = pl.kernel(
        _agg_body,
        out_type=jax.ShapeDtypeStruct((NC, ACC_ROWS, HID), jnp.float32),
        mesh=_sc_mesh(),
        scratch_types=[
            pltpu.VMEM((CPT, K), jnp.int32),
            pltpu.VMEM((CPT, K), jnp.int32),
            pltpu.VMEM((K, HID), jnp.float32),
            pltpu.VMEM((K, HID), jnp.float32),
            pltpu.VMEM((RPT, HID), jnp.float32),
            pltpu.VMEM_SHARED((ACC_ROWS, HID), jnp.float32),
            pltpu.SemaphoreType.DMA,
            pltpu.SemaphoreType.DMA,
            pltpu.SemaphoreType.DMA,
            pltpu.SemaphoreType.DMA,
        ],
        compiler_params=pltpu.CompilerParams(use_tc_tiling_on_sc=False),
    )
    return fn(g, src2, dst2)


def _tc1(x_ref, w1_ref, degt_ref, g1_ref):
    deg = jnp.sum(degt_ref[...], axis=1, keepdims=True) + 1.0
    dis = lax.rsqrt(deg)
    h = jnp.dot(x_ref[...], w1_ref[...], preferred_element_type=jnp.float32,
                precision=lax.Precision.HIGHEST)
    g1_ref[0:N_NODES, :] = h * dis[0:N_NODES]
    g1_ref[N_NODES:G_ROWS, :] = jnp.zeros((G_ROWS - N_NODES, HID), jnp.float32)


def _tc2(agg_ref, g1_ref, degt_ref, b1_ref, g2_ref):
    deg = jnp.sum(degt_ref[...], axis=1, keepdims=True) + 1.0
    dis = lax.rsqrt(deg)[0:N_NODES]
    ssum = agg_ref[0, 0:N_NODES, :] + agg_ref[1, 0:N_NODES, :] + g1_ref[0:N_NODES, :]
    h1 = jnp.maximum(dis * ssum + b1_ref[...], 0.0)
    g2_ref[0:N_NODES, :] = dis * h1
    g2_ref[N_NODES:G_ROWS, :] = jnp.zeros((G_ROWS - N_NODES, HID), jnp.float32)


def _tc3(agg_ref, g2_ref, degt_ref, w2_ref, b2_ref, out_ref):
    deg = jnp.sum(degt_ref[...], axis=1, keepdims=True) + 1.0
    dis = lax.rsqrt(deg)[0:N_NODES]
    ssum = agg_ref[0, 0:N_NODES, :] + agg_ref[1, 0:N_NODES, :] + g2_ref[0:N_NODES, :]
    pre = dis * ssum
    out_ref[...] = (
        jnp.dot(pre, w2_ref[...], preferred_element_type=jnp.float32,
                precision=lax.Precision.HIGHEST)
        + b2_ref[...]
    )


@jax.jit
def kernel(x, edge_index, W1, b1, W2, b2):
    src = edge_index[0]
    dst = edge_index[1]
    pad = E_PAD - N_EDGES
    src2 = jnp.concatenate(
        [src, jnp.full((pad,), PAD_SRC, jnp.int32)]).reshape(NCHUNKS, K)
    dst2 = jnp.concatenate(
        [dst, jnp.full((pad,), PAD_DST, jnp.int32)]).reshape(NCHUNKS, K)

    deg_part = _deg_call(dst2)
    degt = deg_part.T

    g1 = pl.pallas_call(
        _tc1,
        out_shape=jax.ShapeDtypeStruct((G_ROWS, HID), jnp.float32),
    )(x, W1, degt)

    agg1 = _agg_call(g1, src2, dst2)

    g2 = pl.pallas_call(
        _tc2,
        out_shape=jax.ShapeDtypeStruct((G_ROWS, HID), jnp.float32),
    )(agg1, g1, degt, b1.reshape(1, HID))

    agg2 = _agg_call(g2, src2, dst2)

    out = pl.pallas_call(
        _tc3,
        out_shape=jax.ShapeDtypeStruct((N_NODES, OUT_CH), jnp.float32),
    )(agg2, g2, degt, W2, b2.reshape(1, OUT_CH))
    return out

# --- scband reference (transcript-rebuilt; emitter-appended) ---
"""Pipeline reference for scband-gcn-19550691131664 (READ-ONLY COPY).

The authoritative reference and input builder live on the scoring server;
editing this copy changes nothing except your own understanding.
"""

import jax, jax.numpy as jnp
import numpy as np

N_NODES = 10000
N_EDGES = 320000
IN_CH = 128
HID = 16
OUT_CH = 128


def setup_inputs(seed: int = 0) -> dict:
    key = jax.random.key(seed)
    k1, k2, k3, k4, k5, k6 = jax.random.split(key, 6)
    x = jax.random.normal(k1, (N_NODES, IN_CH), dtype=jnp.float32)
    edge_index = jax.random.randint(k2, (2, N_EDGES), 0, N_NODES, dtype=jnp.int32)
    # GCNConv layer 1: in_channels -> 16 (glorot-style scale)
    W1 = jax.random.normal(k3, (IN_CH, HID), dtype=jnp.float32) * (1.0 / np.sqrt(IN_CH))
    b1 = jnp.zeros((HID,), dtype=jnp.float32)
    # GCNConv layer 2: 16 -> out_channels
    W2 = jax.random.normal(k4, (HID, OUT_CH), dtype=jnp.float32) * (1.0 / np.sqrt(HID))
    b2 = jnp.zeros((OUT_CH,), dtype=jnp.float32)
    return {"x": x, "edge_index": edge_index, "W1": W1, "b1": b1, "W2": W2, "b2": b2}


def _gcn_conv(x, edge_index, W, b):
    # Faithful PyG GCNConv: add self-loops, symmetric normalization D^-1/2 A D^-1/2,
    # linear transform, scatter-add aggregation, bias.
    N = x.shape[0]
    loop = jnp.arange(N, dtype=edge_index.dtype)
    src = jnp.concatenate([edge_index[0], loop])
    dst = jnp.concatenate([edge_index[1], loop])
    # x @ W first (PyG applies linear before propagation)
    h = x @ W
    # degree computed on dst with unit edge weights (includes self-loops)
    deg = jnp.zeros((N,), dtype=h.dtype).at[dst].add(1.0)
    deg_inv_sqrt = jnp.where(deg > 0, jax.lax.rsqrt(jnp.maximum(deg, 1e-12)), 0.0)
    norm = deg_inv_sqrt[src] * deg_inv_sqrt[dst]
    msg = h[src] * norm[:, None]
    out = jnp.zeros_like(h).at[dst].add(msg)
    return out + b


def reference(x, edge_index, W1, b1, W2, b2):
    h = _gcn_conv(x, edge_index, W1, b1)
    h = jax.nn.relu(h)
    out = _gcn_conv(h, edge_index, W2, b2)
    return out

if __name__ == "__main__":
    import jax
    _d = setup_inputs()
    print(jax.jit(kernel)(*tuple(_d.values())))

</pallas_src>

<mosaic_0001>
#map = affine_map<(d0, d1) -> (0, 0)>
#map1 = affine_map<(d0, d1) -> (0, 0, 0)>
module attributes {stable_mosaic.version = 14 : i64} {
  func.func @_agg_body(%arg0: i32, %arg1: i32, %arg2: memref<10008x16xf32, #tpu.memory_space<hbm>>, %arg3: memref<2560x128xi32, #tpu.memory_space<hbm>>, %arg4: memref<2560x128xi32, #tpu.memory_space<hbm>>, %arg5: memref<2x10112x16xf32, #tpu.memory_space<hbm>>, %arg6: memref<80x128xi32, #tpu.memory_space<vmem>>, %arg7: memref<80x128xi32, #tpu.memory_space<vmem>>, %arg8: memref<128x16xf32, #tpu.memory_space<vmem>>, %arg9: memref<128x16xf32, #tpu.memory_space<vmem>>, %arg10: memref<632x16xf32, #tpu.memory_space<vmem>>, %arg11: memref<10112x16xf32, #tpu.memory_space<vmem_shared>>, %arg12: memref<!tpu.dma_semaphore, #tpu.memory_space<semaphore_mem>>, %arg13: memref<!tpu.dma_semaphore, #tpu.memory_space<semaphore_mem>>, %arg14: memref<!tpu.dma_semaphore, #tpu.memory_space<semaphore_mem>>, %arg15: memref<!tpu.dma_semaphore, #tpu.memory_space<semaphore_mem>>) attributes {dimension_semantics = [#tpu.dimension_semantics<core_parallel>, #tpu.dimension_semantics<subcore_parallel>], iteration_bounds = array<i64: 2, 16>, scalar_prefetch = 0 : i64, scratch_operands = 10 : i64, tpu.core_type = #tpu.core_type<sc_vector_subcore>, window_params = [{transform_indices = #map}, {transform_indices = #map}, {transform_indices = #map}, {transform_indices = #map1}]} {
    %mul3A = arith.constant 16 : i32
    %mul3A_0 = arith.muli %arg0, %mul3A : i32
    %add3A = arith.addi %mul3A_0, %arg1 : i32
    %scan3A = arith.constant 0 : i32
    %scan3A_1 = arith.constant 632 : i32
    %scan3A_2 = arith.addi %scan3A, %scan3A_1 : i32
    %scan3A_3 = arith.constant 1 : i32
    scf.for %scan3A_33 = %scan3A to %scan3A_2 step %scan3A_3  : i32 {
      %mul3A_34 = arith.constant 1 : i32
      %mul3A_35 = arith.muli %scan3A_33, %mul3A_34 : i32
      %add3A_36 = arith.constant 0 : i32
      %add3A_37 = arith.addi %add3A_36, %mul3A_35 : i32
      %broadcast_in_dim3A = arith.constant 0.000000e+00 : f32
      %broadcast_in_dim3A_38 = vector.broadcast %broadcast_in_dim3A : f32 to vector<16xf32>
      %swap3A = arith.index_cast %add3A_37 : i32 to index
      %swap3A_39 = arith.constant 0 : index
      %swap3A_40 = tpu.vector_load %arg10[%swap3A, %swap3A_39] {strides = array<i32>} : memref<632x16xf32, #tpu.memory_space<vmem>>, vector<1x16xf32>,
      %swap3A_41 = vector.shape_cast %swap3A_40 : vector<1x16xf32> to vector<16xf32>
      %swap3A_42 = vector.shape_cast %broadcast_in_dim3A_38 : vector<16xf32> to vector<1x16xf32>
      tpu.vector_store %arg10[%swap3A, %swap3A_39], %swap3A_42 {strides = array<i32>} : memref<632x16xf32, #tpu.memory_space<vmem>>, vector<1x16xf32>,
    }
    %scan3A_4 = arith.constant 632 : i32
    %mul3A_5 = arith.constant 632 : i32
    %mul3A_6 = arith.muli %arg1, %mul3A_5 : i32
    "tpu.region"() ({
      %run_scoped3A = tpu.sem_alloc : memref<!tpu.dma_semaphore, #tpu.memory_space<semaphore_mem>>
      %dma_start3A_33 = arith.constant 0 : i32
      %dma_start3A_34 = tpu.memref_slice %arg11[%mul3A_6, %dma_start3A_33] : memref<10112x16xf32, #tpu.memory_space<vmem_shared>> -> memref<632x16xf32, #tpu.memory_space<vmem_shared>>
      %dma_start3A_35 = arith.constant 0 : i32
      %dma_start3A_36 = tpu.memref_slice %arg11[%mul3A_6, %dma_start3A_35] : memref<10112x16xf32, #tpu.memory_space<vmem_shared>> -> memref<632x16xf32, #tpu.memory_space<vmem_shared>>
      tpu.enqueue_dma source(%arg10 : memref<632x16xf32, #tpu.memory_space<vmem>>) target(%dma_start3A_36 : memref<632x16xf32, #tpu.memory_space<vmem_shared>>) target_semaphore(%run_scoped3A : memref<!tpu.dma_semaphore, #tpu.memory_space<semaphore_mem>>)
      %dma_wait3A_37 = arith.constant 0 : i32
      %dma_wait3A_38 = tpu.memref_slice %arg11[%mul3A_6, %dma_wait3A_37] : memref<10112x16xf32, #tpu.memory_space<vmem_shared>> -> memref<632x16xf32, #tpu.memory_space<vmem_shared>>
      %dma_wait3A_39 = arith.constant 0 : i32
      %dma_wait3A_40 = tpu.memref_slice %arg11[%mul3A_6, %dma_wait3A_39] : memref<10112x16xf32, #tpu.memory_space<vmem_shared>> -> memref<632x16xf32, #tpu.memory_space<vmem_shared>>
      tpu.wait_dma2 semaphore(%run_scoped3A : memref<!tpu.dma_semaphore, #tpu.memory_space<semaphore_mem>>) src(%arg10 : memref<632x16xf32, #tpu.memory_space<vmem>>) dst(%dma_wait3A_40 : memref<632x16xf32, #tpu.memory_space<vmem_shared>>)
      tpu.yield
    }) : () -> ()
    %mul3A_7 = arith.constant 80 : i32
    %mul3A_8 = arith.muli %add3A, %mul3A_7 : i32
    "tpu.region"() ({
      %run_scoped3A = tpu.sem_alloc : memref<!tpu.dma_semaphore, #tpu.memory_space<semaphore_mem>>
      %dma_start3A_33 = arith.constant 0 : i32
      %dma_start3A_34 = tpu.memref_slice %arg3[%mul3A_8, %dma_start3A_33] : memref<2560x128xi32, #tpu.memory_space<hbm>> -> memref<80x128xi32, #tpu.memory_space<hbm>>
      %dma_start3A_35 = arith.constant 0 : i32
      %dma_start3A_36 = tpu.memref_slice %arg3[%mul3A_8, %dma_start3A_35] : memref<2560x128xi32, #tpu.memory_space<hbm>> -> memref<80x128xi32, #tpu.memory_space<hbm>>
      tpu.enqueue_dma source(%dma_start3A_36 : memref<80x128xi32, #tpu.memory_space<hbm>>) target(%arg6 : memref<80x128xi32, #tpu.memory_space<vmem>>) target_semaphore(%run_scoped3A : memref<!tpu.dma_semaphore, #tpu.memory_space<semaphore_mem>>)
      %dma_wait3A_37 = arith.constant 0 : i32
      %dma_wait3A_38 = tpu.memref_slice %arg3[%mul3A_8, %dma_wait3A_37] : memref<2560x128xi32, #tpu.memory_space<hbm>> -> memref<80x128xi32, #tpu.memory_space<hbm>>
      %dma_wait3A_39 = arith.constant 0 : i32
      %dma_wait3A_40 = tpu.memref_slice %arg3[%mul3A_8, %dma_wait3A_39] : memref<2560x128xi32, #tpu.memory_space<hbm>> -> memref<80x128xi32, #tpu.memory_space<hbm>>
      tpu.wait_dma2 semaphore(%run_scoped3A : memref<!tpu.dma_semaphore, #tpu.memory_space<semaphore_mem>>) src(%dma_wait3A_40 : memref<80x128xi32, #tpu.memory_space<hbm>>) dst(%arg6 : memref<80x128xi32, #tpu.memory_space<vmem>>)
      tpu.yield
    }) : () -> ()
    %mul3A_9 = arith.constant 80 : i32
    %mul3A_10 = arith.muli %add3A, %mul3A_9 : i32
    "tpu.region"() ({
      %run_scoped3A = tpu.sem_alloc : memref<!tpu.dma_semaphore, #tpu.memory_space<semaphore_mem>>
      %dma_start3A_33 = arith.constant 0 : i32
      %dma_start3A_34 = tpu.memref_slice %arg4[%mul3A_10, %dma_start3A_33] : memref<2560x128xi32, #tpu.memory_space<hbm>> -> memref<80x128xi32, #tpu.memory_space<hbm>>
      %dma_start3A_35 = arith.constant 0 : i32
      %dma_start3A_36 = tpu.memref_slice %arg4[%mul3A_10, %dma_start3A_35] : memref<2560x128xi32, #tpu.memory_space<hbm>> -> memref<80x128xi32, #tpu.memory_space<hbm>>
      tpu.enqueue_dma source(%dma_start3A_36 : memref<80x128xi32, #tpu.memory_space<hbm>>) target(%arg7 : memref<80x128xi32, #tpu.memory_space<vmem>>) target_semaphore(%run_scoped3A : memref<!tpu.dma_semaphore, #tpu.memory_space<semaphore_mem>>)
      %dma_wait3A_37 = arith.constant 0 : i32
      %dma_wait3A_38 = tpu.memref_slice %arg4[%mul3A_10, %dma_wait3A_37] : memref<2560x128xi32, #tpu.memory_space<hbm>> -> memref<80x128xi32, #tpu.memory_space<hbm>>
      %dma_wait3A_39 = arith.constant 0 : i32
      %dma_wait3A_40 = tpu.memref_slice %arg4[%mul3A_10, %dma_wait3A_39] : memref<2560x128xi32, #tpu.memory_space<hbm>> -> memref<80x128xi32, #tpu.memory_space<hbm>>
      tpu.wait_dma2 semaphore(%run_scoped3A : memref<!tpu.dma_semaphore, #tpu.memory_space<semaphore_mem>>) src(%dma_wait3A_40 : memref<80x128xi32, #tpu.memory_space<hbm>>) dst(%arg7 : memref<80x128xi32, #tpu.memory_space<vmem>>)
      tpu.yield
    }) : () -> ()
    %barrier3A = arith.constant 0 : index
    tpu.barrier barrier_id(%barrier3A)
    %dma_start3A = arith.constant 0 : i32
    %dma_start3A_11 = arith.constant 0 : i32
    %dma_start3A_12 = tpu.memref_slice %arg6[%dma_start3A, %dma_start3A_11] : memref<80x128xi32, #tpu.memory_space<vmem>> -> memref<1x128xi32, #tpu.memory_space<vmem>>
    %dma_start3A_13 = tpu.memref_squeeze %dma_start3A_12 : memref<1x128xi32, #tpu.memory_space<vmem>> -> memref<128xi32, #tpu.memory_space<vmem>>
    %dma_start3A_14 = arith.constant 0 : i32
    %dma_start3A_15 = arith.constant 0 : i32
    %dma_start3A_16 = tpu.memref_slice %arg2[%dma_start3A_14, %dma_start3A_15] : memref<10008x16xf32, #tpu.memory_space<hbm>> -> memref<10008x16xf32, #tpu.memory_space<hbm>>
    tpu.enqueue_indirect_dma source(%dma_start3A_16 : memref<10008x16xf32, #tpu.memory_space<hbm>>) target(%arg8 : memref<128x16xf32, #tpu.memory_space<vmem>>) offsets(%dma_start3A_13 : memref<128xi32, #tpu.memory_space<vmem>>) semaphore(%arg12 : memref<!tpu.dma_semaphore, #tpu.memory_space<semaphore_mem>>)
    %scan3A_17 = arith.constant 0 : i32
    %scan3A_18 = arith.constant 40 : i32
    %scan3A_19 = arith.addi %scan3A_17, %scan3A_18 : i32
    %scan3A_20 = arith.constant 1 : i32
    scf.for %scan3A_33 = %scan3A_17 to %scan3A_19 step %scan3A_20  : i32 {
      %mul3A_34 = arith.constant 2 : i32
      %mul3A_35 = arith.muli %scan3A_33, %mul3A_34 : i32
      %add3A_36 = arith.constant 0 : i32
      %add3A_37 = arith.addi %add3A_36, %mul3A_35 : i32
      %dma_wait3A_38 = arith.constant 0 : i32
      %dma_wait3A_39 = tpu.memref_slice %arg6[%add3A_37, %dma_wait3A_38] : memref<80x128xi32, #tpu.memory_space<vmem>> -> memref<1x128xi32, #tpu.memory_space<vmem>>
      %dma_wait3A_40 = tpu.memref_squeeze %dma_wait3A_39 : memref<1x128xi32, #tpu.memory_space<vmem>> -> memref<128xi32, #tpu.memory_space<vmem>>
      %dma_wait3A_41 = arith.constant 0 : i32
      %dma_wait3A_42 = arith.constant 0 : i32
      %dma_wait3A_43 = tpu.memref_slice %arg2[%dma_wait3A_41, %dma_wait3A_42] : memref<10008x16xf32, #tpu.memory_space<hbm>> -> memref<10008x16xf32, #tpu.memory_space<hbm>>
      tpu.wait_indirect_dma semaphore(%arg12 : memref<!tpu.dma_semaphore, #tpu.memory_space<semaphore_mem>>) src(%dma_wait3A_43 : memref<10008x16xf32, #tpu.memory_space<hbm>>) dst(%arg8 : memref<128x16xf32, #tpu.memory_space<vmem>>)
      %ge3A = arith.constant 1 : i32
      %ge3A_44 = arith.cmpi sge, %add3A_37, %ge3A : i32
      %convert_element_type3A = arith.extui %ge3A_44 : i1 to i32
      %cond3A = arith.constant 0 : i32
      %cond3A_45 = arith.cmpi ne, %convert_element_type3A, %cond3A : i32
      scf.if %cond3A_45 {
        %sub3A = arith.constant 1 : i32
        %sub3A_84 = arith.subi %add3A_37, %sub3A : i32
        %dma_wait3A_85 = arith.constant 0 : i32
        %dma_wait3A_86 = tpu.memref_slice %arg7[%sub3A_84, %dma_wait3A_85] : memref<80x128xi32, #tpu.memory_space<vmem>> -> memref<1x128xi32, #tpu.memory_space<vmem>>
        %dma_wait3A_87 = tpu.memref_squeeze %dma_wait3A_86 : memref<1x128xi32, #tpu.memory_space<vmem>> -> memref<128xi32, #tpu.memory_space<vmem>>
        %dma_wait3A_88 = arith.constant 0 : i32
        %dma_wait3A_89 = arith.constant 0 : i32
        %dma_wait3A_90 = tpu.memref_slice %arg11[%dma_wait3A_88, %dma_wait3A_89] : memref<10112x16xf32, #tpu.memory_space<vmem_shared>> -> memref<10112x16xf32, #tpu.memory_space<vmem_shared>>
        tpu.wait_indirect_dma semaphore(%arg15 : memref<!tpu.dma_semaphore, #tpu.memory_space<semaphore_mem>>) src(%arg9 : memref<128x16xf32, #tpu.memory_space<vmem>>) dst(%dma_wait3A_90 : memref<10112x16xf32, #tpu.memory_space<vmem_shared>>)
      } else {
      }
      %add3A_46 = arith.constant 1 : i32
      %add3A_47 = arith.addi %add3A_37, %add3A_46 : i32
      %lt3A = arith.constant 80 : i32
      %lt3A_48 = arith.cmpi slt, %add3A_47, %lt3A : i32
      %convert_element_type3A_49 = arith.extui %lt3A_48 : i1 to i32
      %cond3A_50 = arith.constant 0 : i32
      %cond3A_51 = arith.cmpi ne, %convert_element_type3A_49, %cond3A_50 : i32
      scf.if %cond3A_51 {
        %add3A_84 = arith.constant 1 : i32
        %add3A_85 = arith.addi %add3A_37, %add3A_84 : i32
        %dma_start3A_86 = arith.constant 0 : i32
        %dma_start3A_87 = tpu.memref_slice %arg6[%add3A_85, %dma_start3A_86] : memref<80x128xi32, #tpu.memory_space<vmem>> -> memref<1x128xi32, #tpu.memory_space<vmem>>
        %dma_start3A_88 = tpu.memref_squeeze %dma_start3A_87 : memref<1x128xi32, #tpu.memory_space<vmem>> -> memref<128xi32, #tpu.memory_space<vmem>>
        %dma_start3A_89 = arith.constant 0 : i32
        %dma_start3A_90 = arith.constant 0 : i32
        %dma_start3A_91 = tpu.memref_slice %arg2[%dma_start3A_89, %dma_start3A_90] : memref<10008x16xf32, #tpu.memory_space<hbm>> -> memref<10008x16xf32, #tpu.memory_space<hbm>>
        tpu.enqueue_indirect_dma source(%dma_start3A_91 : memref<10008x16xf32, #tpu.memory_space<hbm>>) target(%arg9 : memref<128x16xf32, #tpu.memory_space<vmem>>) offsets(%dma_start3A_88 : memref<128xi32, #tpu.memory_space<vmem>>) semaphore(%arg13 : memref<!tpu.dma_semaphore, #tpu.memory_space<semaphore_mem>>)
      } else {
      }
      %dma_start3A_52 = arith.constant 0 : i32
      %dma_start3A_53 = tpu.memref_slice %arg7[%add3A_37, %dma_start3A_52] : memref<80x128xi32, #tpu.memory_space<vmem>> -> memref<1x128xi32, #tpu.memory_space<vmem>>
      %dma_start3A_54 = tpu.memref_squeeze %dma_start3A_53 : memref<1x128xi32, #tpu.memory_space<vmem>> -> memref<128xi32, #tpu.memory_space<vmem>>
      %dma_start3A_55 = arith.constant 0 : i32
      %dma_start3A_56 = arith.constant 0 : i32
      %dma_start3A_57 = tpu.memref_slice %arg11[%dma_start3A_55, %dma_start3A_56] : memref<10112x16xf32, #tpu.memory_space<vmem_shared>> -> memref<10112x16xf32, #tpu.memory_space<vmem_shared>>
      tpu.enqueue_indirect_dma source(%arg8 : memref<128x16xf32, #tpu.memory_space<vmem>>) target(%dma_start3A_57 : memref<10112x16xf32, #tpu.memory_space<vmem_shared>>) offsets(%dma_start3A_54 : memref<128xi32, #tpu.memory_space<vmem>>) semaphore(%arg14 : memref<!tpu.dma_semaphore, #tpu.memory_space<semaphore_mem>>) {add = true}
      %add3A_58 = arith.constant 1 : i32
      %add3A_59 = arith.addi %add3A_37, %add3A_58 : i32
      %dma_wait3A_60 = arith.constant 0 : i32
      %dma_wait3A_61 = tpu.memref_slice %arg6[%add3A_59, %dma_wait3A_60] : memref<80x128xi32, #tpu.memory_space<vmem>> -> memref<1x128xi32, #tpu.memory_space<vmem>>
      %dma_wait3A_62 = tpu.memref_squeeze %dma_wait3A_61 : memref<1x128xi32, #tpu.memory_space<vmem>> -> memref<128xi32, #tpu.memory_space<vmem>>
      %dma_wait3A_63 = arith.constant 0 : i32
      %dma_wait3A_64 = arith.constant 0 : i32
      %dma_wait3A_65 = tpu.memref_slice %arg2[%dma_wait3A_63, %dma_wait3A_64] : memref<10008x16xf32, #tpu.memory_space<hbm>> -> memref<10008x16xf32, #tpu.memory_space<hbm>>
      tpu.wait_indirect_dma semaphore(%arg13 : memref<!tpu.dma_semaphore, #tpu.memory_space<semaphore_mem>>) src(%dma_wait3A_65 : memref<10008x16xf32, #tpu.memory_space<hbm>>) dst(%arg9 : memref<128x16xf32, #tpu.memory_space<vmem>>)
      %ge3A_66 = arith.constant 1 : i32
      %ge3A_67 = arith.cmpi sge, %add3A_59, %ge3A_66 : i32
      %convert_element_type3A_68 = arith.extui %ge3A_67 : i1 to i32
      %cond3A_69 = arith.constant 0 : i32
      %cond3A_70 = arith.cmpi ne, %convert_element_type3A_68, %cond3A_69 : i32
      scf.if %cond3A_70 {
        %sub3A = arith.constant 1 : i32
        %sub3A_84 = arith.subi %add3A_59, %sub3A : i32
        %dma_wait3A_85 = arith.constant 0 : i32
        %dma_wait3A_86 = tpu.memref_slice %arg7[%sub3A_84, %dma_wait3A_85] : memref<80x128xi32, #tpu.memory_space<vmem>> -> memref<1x128xi32, #tpu.memory_space<vmem>>
        %dma_wait3A_87 = tpu.memref_squeeze %dma_wait3A_86 : memref<1x128xi32, #tpu.memory_space<vmem>> -> memref<128xi32, #tpu.memory_space<vmem>>
        %dma_wait3A_88 = arith.constant 0 : i32
        %dma_wait3A_89 = arith.constant 0 : i32
        %dma_wait3A_90 = tpu.memref_slice %arg11[%dma_wait3A_88, %dma_wait3A_89] : memref<10112x16xf32, #tpu.memory_space<vmem_shared>> -> memref<10112x16xf32, #tpu.memory_space<vmem_shared>>
        tpu.wait_indirect_dma semaphore(%arg14 : memref<!tpu.dma_semaphore, #tpu.memory_space<semaphore_mem>>) src(%arg8 : memref<128x16xf32, #tpu.memory_space<vmem>>) dst(%dma_wait3A_90 : memref<10112x16xf32, #tpu.memory_space<vmem_shared>>)
      } else {
      }
      %add3A_71 = arith.constant 1 : i32
      %add3A_72 = arith.addi %add3A_59, %add3A_71 : i32
      %lt3A_73 = arith.constant 80 : i32
      %lt3A_74 = arith.cmpi slt, %add3A_72, %lt3A_73 : i32
      %convert_element_type3A_75 = arith.extui %lt3A_74 : i1 to i32
      %cond3A_76 = arith.constant 0 : i32
      %cond3A_77 = arith.cmpi ne, %convert_element_type3A_75, %cond3A_76 : i32
      scf.if %cond3A_77 {
        %add3A_84 = arith.constant 1 : i32
        %add3A_85 = arith.addi %add3A_59, %add3A_84 : i32
        %dma_start3A_86 = arith.constant 0 : i32
        %dma_start3A_87 = tpu.memref_slice %arg6[%add3A_85, %dma_start3A_86] : memref<80x128xi32, #tpu.memory_space<vmem>> -> memref<1x128xi32, #tpu.memory_space<vmem>>
        %dma_start3A_88 = tpu.memref_squeeze %dma_start3A_87 : memref<1x128xi32, #tpu.memory_space<vmem>> -> memref<128xi32, #tpu.memory_space<vmem>>
        %dma_start3A_89 = arith.constant 0 : i32
        %dma_start3A_90 = arith.constant 0 : i32
        %dma_start3A_91 = tpu.memref_slice %arg2[%dma_start3A_89, %dma_start3A_90] : memref<10008x16xf32, #tpu.memory_space<hbm>> -> memref<10008x16xf32, #tpu.memory_space<hbm>>
        tpu.enqueue_indirect_dma source(%dma_start3A_91 : memref<10008x16xf32, #tpu.memory_space<hbm>>) target(%arg8 : memref<128x16xf32, #tpu.memory_space<vmem>>) offsets(%dma_start3A_88 : memref<128xi32, #tpu.memory_space<vmem>>) semaphore(%arg12 : memref<!tpu.dma_semaphore, #tpu.memory_space<semaphore_mem>>)
      } else {
      }
      %dma_start3A_78 = arith.constant 0 : i32
      %dma_start3A_79 = tpu.memref_slice %arg7[%add3A_59, %dma_start3A_78] : memref<80x128xi32, #tpu.memory_space<vmem>> -> memref<1x128xi32, #tpu.memory_space<vmem>>
      %dma_start3A_80 = tpu.memref_squeeze %dma_start3A_79 : memref<1x128xi32, #tpu.memory_space<vmem>> -> memref<128xi32, #tpu.memory_space<vmem>>
      %dma_start3A_81 = arith.constant 0 : i32
      %dma_start3A_82 = arith.constant 0 : i32
      %dma_start3A_83 = tpu.memref_slice %arg11[%dma_start3A_81, %dma_start3A_82] : memref<10112x16xf32, #tpu.memory_space<vmem_shared>> -> memref<10112x16xf32, #tpu.memory_space<vmem_shared>>
      tpu.enqueue_indirect_dma source(%arg9 : memref<128x16xf32, #tpu.memory_space<vmem>>) target(%dma_start3A_83 : memref<10112x16xf32, #tpu.memory_space<vmem_shared>>) offsets(%dma_start3A_80 : memref<128xi32, #tpu.memory_space<vmem>>) semaphore(%arg15 : memref<!tpu.dma_semaphore, #tpu.memory_space<semaphore_mem>>) {add = true}
    }
    %scan3A_21 = arith.constant 40 : i32
    %dma_wait3A = arith.constant 79 : i32
    %dma_wait3A_22 = arith.constant 0 : i32
    %dma_wait3A_23 = tpu.memref_slice %arg7[%dma_wait3A, %dma_wait3A_22] : memref<80x128xi32, #tpu.memory_space<vmem>> -> memref<1x128xi32, #tpu.memory_space<vmem>>
    %dma_wait3A_24 = tpu.memref_squeeze %dma_wait3A_23 : memref<1x128xi32, #tpu.memory_space<vmem>> -> memref<128xi32, #tpu.memory_space<vmem>>
    %dma_wait3A_25 = arith.constant 0 : i32
    %dma_wait3A_26 = arith.constant 0 : i32
    %dma_wait3A_27 = tpu.memref_slice %arg11[%dma_wait3A_25, %dma_wait3A_26] : memref<10112x16xf32, #tpu.memory_space<vmem_shared>> -> memref<10112x16xf32, #tpu.memory_space<vmem_shared>>
    tpu.wait_indirect_dma semaphore(%arg15 : memref<!tpu.dma_semaphore, #tpu.memory_space<semaphore_mem>>) src(%arg9 : memref<128x16xf32, #tpu.memory_space<vmem>>) dst(%dma_wait3A_27 : memref<10112x16xf32, #tpu.memory_space<vmem_shared>>)
    %barrier3A_28 = arith.constant 0 : index
    tpu.barrier barrier_id(%barrier3A_28)
    %mul3A_29 = arith.constant 632 : i32
    %mul3A_30 = arith.muli %arg1, %mul3A_29 : i32
    %mul3A_31 = arith.constant 632 : i32
    %mul3A_32 = arith.muli %arg1, %mul3A_31 : i32
    "tpu.region"() ({
      %run_scoped3A = tpu.sem_alloc : memref<!tpu.dma_semaphore, #tpu.memory_space<semaphore_mem>>
      %dma_start3A_33 = arith.constant 0 : i32
      %dma_start3A_34 = tpu.memref_slice %arg5[%arg0, %mul3A_32, %dma_start3A_33] : memref<2x10112x16xf32, #tpu.memory_space<hbm>> -> memref<1x632x16xf32, #tpu.memory_space<hbm>>
      %dma_start3A_35 = tpu.memref_squeeze %dma_start3A_34 : memref<1x632x16xf32, #tpu.memory_space<hbm>> -> memref<632x16xf32, #tpu.memory_space<hbm>>
      %dma_start3A_36 = arith.constant 0 : i32
      %dma_start3A_37 = tpu.memref_slice %arg11[%mul3A_30, %dma_start3A_36] : memref<10112x16xf32, #tpu.memory_space<vmem_shared>> -> memref<632x16xf32, #tpu.memory_space<vmem_shared>>
      tpu.enqueue_dma source(%dma_start3A_37 : memref<632x16xf32, #tpu.memory_space<vmem_shared>>) target(%dma_start3A_35 : memref<632x16xf32, #tpu.memory_space<hbm>>) target_semaphore(%run_scoped3A : memref<!tpu.dma_semaphore, #tpu.memory_space<semaphore_mem>>)
      %dma_wait3A_38 = arith.constant 0 : i32
      %dma_wait3A_39 = tpu.memref_slice %arg5[%arg0, %mul3A_32, %dma_wait3A_38] : memref<2x10112x16xf32, #tpu.memory_space<hbm>> -> memref<1x632x16xf32, #tpu.memory_space<hbm>>
      %dma_wait3A_40 = tpu.memref_squeeze %dma_wait3A_39 : memref<1x632x16xf32, #tpu.memory_space<hbm>> -> memref<632x16xf32, #tpu.memory_space<hbm>>
      %dma_wait3A_41 = arith.constant 0 : i32
      %dma_wait3A_42 = tpu.memref_slice %arg11[%mul3A_30, %dma_wait3A_41] : memref<10112x16xf32, #tpu.memory_space<vmem_shared>> -> memref<632x16xf32, #tpu.memory_space<vmem_shared>>
      tpu.wait_dma2 semaphore(%run_scoped3A : memref<!tpu.dma_semaphore, #tpu.memory_space<semaphore_mem>>) src(%dma_wait3A_42 : memref<632x16xf32, #tpu.memory_space<vmem_shared>>) dst(%dma_wait3A_40 : memref<632x16xf32, #tpu.memory_space<hbm>>)
      tpu.yield
    }) : () -> ()
    return
  }
}

#map = affine_map<(d0, d1) -> (0, 0)>
module attributes {stable_mosaic.version = 14 : i64} {
  func.func @_deg_body(%arg0: i32, %arg1: i32, %arg2: memref<2560x128xi32, #tpu.memory_space<hbm>>, %arg3: memref<32x10112xf32, #tpu.memory_space<hbm>>, %arg4: memref<80x128xi32, #tpu.memory_space<vmem>>, %arg5: memref<10112xf32, #tpu.memory_space<vmem>>) attributes {dimension_semantics = [#tpu.dimension_semantics<core_parallel>, #tpu.dimension_semantics<subcore_parallel>], iteration_bounds = array<i64: 2, 16>, scalar_prefetch = 0 : i64, scratch_operands = 2 : i64, tpu.core_type = #tpu.core_type<sc_vector_subcore>, window_params = [{transform_indices = #map}, {transform_indices = #map}]} {
    %mul3A = arith.constant 16 : i32
    %mul3A_0 = arith.muli %arg0, %mul3A : i32
    %add3A = arith.addi %mul3A_0, %arg1 : i32
    %scan3A = arith.constant 0 : i32
    %scan3A_1 = arith.constant 632 : i32
    %scan3A_2 = arith.addi %scan3A, %scan3A_1 : i32
    %scan3A_3 = arith.constant 1 : i32
    scf.for %scan3A_12 = %scan3A to %scan3A_2 step %scan3A_3  : i32 {
      %mul3A_13 = arith.constant 1 : i32
      %mul3A_14 = arith.muli %scan3A_12, %mul3A_13 : i32
      %add3A_15 = arith.constant 0 : i32
      %add3A_16 = arith.addi %add3A_15, %mul3A_14 : i32
      %broadcast_in_dim3A = arith.constant 0.000000e+00 : f32
      %broadcast_in_dim3A_17 = vector.broadcast %broadcast_in_dim3A : f32 to vector<16xf32>
      %mul3A_18 = arith.constant 16 : i32
      %mul3A_19 = arith.muli %add3A_16, %mul3A_18 : i32
      %swap3A = arith.index_cast %mul3A_19 : i32 to index
      %swap3A_20 = tpu.vector_load %arg5[%swap3A] {strides = array<i32>} : memref<10112xf32, #tpu.memory_space<vmem>>, vector<16xf32>,
      tpu.vector_store %arg5[%swap3A], %broadcast_in_dim3A_17 {strides = array<i32>} : memref<10112xf32, #tpu.memory_space<vmem>>, vector<16xf32>,
    }
    %scan3A_4 = arith.constant 632 : i32
    %mul3A_5 = arith.constant 80 : i32
    %mul3A_6 = arith.muli %add3A, %mul3A_5 : i32
    "tpu.region"() ({
      %run_scoped3A = tpu.sem_alloc : memref<!tpu.dma_semaphore, #tpu.memory_space<semaphore_mem>>
      %dma_start3A = arith.constant 0 : i32
      %dma_start3A_12 = tpu.memref_slice %arg2[%mul3A_6, %dma_start3A] : memref<2560x128xi32, #tpu.memory_space<hbm>> -> memref<80x128xi32, #tpu.memory_space<hbm>>
      %dma_start3A_13 = arith.constant 0 : i32
      %dma_start3A_14 = tpu.memref_slice %arg2[%mul3A_6, %dma_start3A_13] : memref<2560x128xi32, #tpu.memory_space<hbm>> -> memref<80x128xi32, #tpu.memory_space<hbm>>
      tpu.enqueue_dma source(%dma_start3A_14 : memref<80x128xi32, #tpu.memory_space<hbm>>) target(%arg4 : memref<80x128xi32, #tpu.memory_space<vmem>>) target_semaphore(%run_scoped3A : memref<!tpu.dma_semaphore, #tpu.memory_space<semaphore_mem>>)
      %dma_wait3A = arith.constant 0 : i32
      %dma_wait3A_15 = tpu.memref_slice %arg2[%mul3A_6, %dma_wait3A] : memref<2560x128xi32, #tpu.memory_space<hbm>> -> memref<80x128xi32, #tpu.memory_space<hbm>>
      %dma_wait3A_16 = arith.constant 0 : i32
      %dma_wait3A_17 = tpu.memref_slice %arg2[%mul3A_6, %dma_wait3A_16] : memref<2560x128xi32, #tpu.memory_space<hbm>> -> memref<80x128xi32, #tpu.memory_space<hbm>>
      tpu.wait_dma2 semaphore(%run_scoped3A : memref<!tpu.dma_semaphore, #tpu.memory_space<semaphore_mem>>) src(%dma_wait3A_17 : memref<80x128xi32, #tpu.memory_space<hbm>>) dst(%arg4 : memref<80x128xi32, #tpu.memory_space<vmem>>)
      tpu.yield
    }) : () -> ()
    %scan3A_7 = arith.constant 0 : i32
    %scan3A_8 = arith.constant 80 : i32
    %scan3A_9 = arith.addi %scan3A_7, %scan3A_8 : i32
    %scan3A_10 = arith.constant 1 : i32
    scf.for %scan3A_12 = %scan3A_7 to %scan3A_9 step %scan3A_10  : i32 {
      %mul3A_13 = arith.constant 1 : i32
      %mul3A_14 = arith.muli %scan3A_12, %mul3A_13 : i32
      %add3A_15 = arith.constant 0 : i32
      %add3A_16 = arith.addi %add3A_15, %mul3A_14 : i32
      %get3A = arith.index_cast %add3A_16 : i32 to index
      %get3A_17 = arith.constant 0 : index
      %get3A_18 = tpu.vector_load %arg4[%get3A, %get3A_17] {strides = array<i32>} : memref<80x128xi32, #tpu.memory_space<vmem>>, vector<16xi32>,
      %broadcast_in_dim3A = arith.constant 1.000000e+00 : f32
      %broadcast_in_dim3A_19 = vector.broadcast %broadcast_in_dim3A : f32 to vector<16xf32>
      tpu.vector_store_idx %arg5[%get3A_18], %broadcast_in_dim3A_19 {add = true} : memref<10112xf32, #tpu.memory_space<vmem>>[vector<16xi32>], vector<16xf32>,
      %get3A_20 = arith.index_cast %add3A_16 : i32 to index
      %get3A_21 = arith.constant 16 : index
      %get3A_22 = tpu.vector_load %arg4[%get3A_20, %get3A_21] {strides = array<i32>} : memref<80x128xi32, #tpu.memory_space<vmem>>, vector<16xi32>,
      %broadcast_in_dim3A_23 = arith.constant 1.000000e+00 : f32
      %broadcast_in_dim3A_24 = vector.broadcast %broadcast_in_dim3A_23 : f32 to vector<16xf32>
      tpu.vector_store_idx %arg5[%get3A_22], %broadcast_in_dim3A_24 {add = true} : memref<10112xf32, #tpu.memory_space<vmem>>[vector<16xi32>], vector<16xf32>,
      %get3A_25 = arith.index_cast %add3A_16 : i32 to index
      %get3A_26 = arith.constant 32 : index
      %get3A_27 = tpu.vector_load %arg4[%get3A_25, %get3A_26] {strides = array<i32>} : memref<80x128xi32, #tpu.memory_space<vmem>>, vector<16xi32>,
      %broadcast_in_dim3A_28 = arith.constant 1.000000e+00 : f32
      %broadcast_in_dim3A_29 = vector.broadcast %broadcast_in_dim3A_28 : f32 to vector<16xf32>
      tpu.vector_store_idx %arg5[%get3A_27], %broadcast_in_dim3A_29 {add = true} : memref<10112xf32, #tpu.memory_space<vmem>>[vector<16xi32>], vector<16xf32>,
      %get3A_30 = arith.index_cast %add3A_16 : i32 to index
      %get3A_31 = arith.constant 48 : index
      %get3A_32 = tpu.vector_load %arg4[%get3A_30, %get3A_31] {strides = array<i32>} : memref<80x128xi32, #tpu.memory_space<vmem>>, vector<16xi32>,
      %broadcast_in_dim3A_33 = arith.constant 1.000000e+00 : f32
      %broadcast_in_dim3A_34 = vector.broadcast %broadcast_in_dim3A_33 : f32 to vector<16xf32>
      tpu.vector_store_idx %arg5[%get3A_32], %broadcast_in_dim3A_34 {add = true} : memref<10112xf32, #tpu.memory_space<vmem>>[vector<16xi32>], vector<16xf32>,
      %get3A_35 = arith.index_cast %add3A_16 : i32 to index
      %get3A_36 = arith.constant 64 : index
      %get3A_37 = tpu.vector_load %arg4[%get3A_35, %get3A_36] {strides = array<i32>} : memref<80x128xi32, #tpu.memory_space<vmem>>, vector<16xi32>,
      %broadcast_in_dim3A_38 = arith.constant 1.000000e+00 : f32
      %broadcast_in_dim3A_39 = vector.broadcast %broadcast_in_dim3A_38 : f32 to vector<16xf32>
      tpu.vector_store_idx %arg5[%get3A_37], %broadcast_in_dim3A_39 {add = true} : memref<10112xf32, #tpu.memory_space<vmem>>[vector<16xi32>], vector<16xf32>,
      %get3A_40 = arith.index_cast %add3A_16 : i32 to index
      %get3A_41 = arith.constant 80 : index
      %get3A_42 = tpu.vector_load %arg4[%get3A_40, %get3A_41] {strides = array<i32>} : memref<80x128xi32, #tpu.memory_space<vmem>>, vector<16xi32>,
      %broadcast_in_dim3A_43 = arith.constant 1.000000e+00 : f32
      %broadcast_in_dim3A_44 = vector.broadcast %broadcast_in_dim3A_43 : f32 to vector<16xf32>
      tpu.vector_store_idx %arg5[%get3A_42], %broadcast_in_dim3A_44 {add = true} : memref<10112xf32, #tpu.memory_space<vmem>>[vector<16xi32>], vector<16xf32>,
      %get3A_45 = arith.index_cast %add3A_16 : i32 to index
      %get3A_46 = arith.constant 96 : index
      %get3A_47 = tpu.vector_load %arg4[%get3A_45, %get3A_46] {strides = array<i32>} : memref<80x128xi32, #tpu.memory_space<vmem>>, vector<16xi32>,
      %broadcast_in_dim3A_48 = arith.constant 1.000000e+00 : f32
      %broadcast_in_dim3A_49 = vector.broadcast %broadcast_in_dim3A_48 : f32 to vector<16xf32>
      tpu.vector_store_idx %arg5[%get3A_47], %broadcast_in_dim3A_49 {add = true} : memref<10112xf32, #tpu.memory_space<vmem>>[vector<16xi32>], vector<16xf32>,
      %get3A_50 = arith.index_cast %add3A_16 : i32 to index
      %get3A_51 = arith.constant 112 : index
      %get3A_52 = tpu.vector_load %arg4[%get3A_50, %get3A_51] {strides = array<i32>} : memref<80x128xi32, #tpu.memory_space<vmem>>, vector<16xi32>,
      %broadcast_in_dim3A_53 = arith.constant 1.000000e+00 : f32
      %broadcast_in_dim3A_54 = vector.broadcast %broadcast_in_dim3A_53 : f32 to vector<16xf32>
      tpu.vector_store_idx %arg5[%get3A_52], %broadcast_in_dim3A_54 {add = true} : memref<10112xf32, #tpu.memory_space<vmem>>[vector<16xi32>], vector<16xf32>,
    }
    %scan3A_11 = arith.constant 80 : i32
    "tpu.region"() ({
      %run_scoped3A = tpu.sem_alloc : memref<!tpu.dma_semaphore, #tpu.memory_space<semaphore_mem>>
      %dma_start3A = arith.constant 0 : i32
      %dma_start3A_12 = tpu.memref_slice %arg3[%add3A, %dma_start3A] : memref<32x10112xf32, #tpu.memory_space<hbm>> -> memref<1x10112xf32, #tpu.memory_space<hbm>>
      %dma_start3A_13 = tpu.memref_squeeze %dma_start3A_12 : memref<1x10112xf32, #tpu.memory_space<hbm>> -> memref<10112xf32, #tpu.memory_space<hbm>>
      %dma_start3A_14 = arith.constant 0 : i32
      %dma_start3A_15 = tpu.memref_slice %arg3[%add3A, %dma_start3A_14] : memref<32x10112xf32, #tpu.memory_space<hbm>> -> memref<1x10112xf32, #tpu.memory_space<hbm>>
      %dma_start3A_16 = tpu.memref_squeeze %dma_start3A_15 : memref<1x10112xf32, #tpu.memory_space<hbm>> -> memref<10112xf32, #tpu.memory_space<hbm>>
      tpu.enqueue_dma source(%arg5 : memref<10112xf32, #tpu.memory_space<vmem>>) target(%dma_start3A_16 : memref<10112xf32, #tpu.memory_space<hbm>>) target_semaphore(%run_scoped3A : memref<!tpu.dma_semaphore, #tpu.memory_space<semaphore_mem>>)
      %dma_wait3A = arith.constant 0 : i32
      %dma_wait3A_17 = tpu.memref_slice %arg3[%add3A, %dma_wait3A] : memref<32x10112xf32, #tpu.memory_space<hbm>> -> memref<1x10112xf32, #tpu.memory_space<hbm>>
      %dma_wait3A_18 = tpu.memref_squeeze %dma_wait3A_17 : memref<1x10112xf32, #tpu.memory_space<hbm>> -> memref<10112xf32, #tpu.memory_space<hbm>>
      %dma_wait3A_19 = arith.constant 0 : i32
      %dma_wait3A_20 = tpu.memref_slice %arg3[%add3A, %dma_wait3A_19] : memref<32x10112xf32, #tpu.memory_space<hbm>> -> memref<1x10112xf32, #tpu.memory_space<hbm>>
      %dma_wait3A_21 = tpu.memref_squeeze %dma_wait3A_20 : memref<1x10112xf32, #tpu.memory_space<hbm>> -> memref<10112xf32, #tpu.memory_space<hbm>>
      tpu.wait_dma2 semaphore(%run_scoped3A : memref<!tpu.dma_semaphore, #tpu.memory_space<semaphore_mem>>) src(%arg5 : memref<10112xf32, #tpu.memory_space<vmem>>) dst(%dma_wait3A_21 : memref<10112xf32, #tpu.memory_space<hbm>>)
      tpu.yield
    }) : () -> ()
    return
  }
}

#map = affine_map<(d0, d1) -> (0, 0)>
#map1 = affine_map<(d0, d1) -> (0, 0, 0)>
module attributes {stable_mosaic.version = 14 : i64} {
  func.func @_agg_body(%arg0: i32, %arg1: i32, %arg2: memref<10008x16xf32, #tpu.memory_space<hbm>>, %arg3: memref<2560x128xi32, #tpu.memory_space<hbm>>, %arg4: memref<2560x128xi32, #tpu.memory_space<hbm>>, %arg5: memref<2x10112x16xf32, #tpu.memory_space<hbm>>, %arg6: memref<80x128xi32, #tpu.memory_space<vmem>>, %arg7: memref<80x128xi32, #tpu.memory_space<vmem>>, %arg8: memref<128x16xf32, #tpu.memory_space<vmem>>, %arg9: memref<128x16xf32, #tpu.memory_space<vmem>>, %arg10: memref<632x16xf32, #tpu.memory_space<vmem>>, %arg11: memref<10112x16xf32, #tpu.memory_space<vmem_shared>>, %arg12: memref<!tpu.dma_semaphore, #tpu.memory_space<semaphore_mem>>, %arg13: memref<!tpu.dma_semaphore, #tpu.memory_space<semaphore_mem>>, %arg14: memref<!tpu.dma_semaphore, #tpu.memory_space<semaphore_mem>>, %arg15: memref<!tpu.dma_semaphore, #tpu.memory_space<semaphore_mem>>) attributes {dimension_semantics = [#tpu.dimension_semantics<core_parallel>, #tpu.dimension_semantics<subcore_parallel>], iteration_bounds = array<i64: 2, 16>, scalar_prefetch = 0 : i64, scratch_operands = 10 : i64, tpu.core_type = #tpu.core_type<sc_vector_subcore>, window_params = [{transform_indices = #map}, {transform_indices = #map}, {transform_indices = #map}, {transform_indices = #map1}]} {
    %mul3A = arith.constant 16 : i32
    %mul3A_0 = arith.muli %arg0, %mul3A : i32
    %add3A = arith.addi %mul3A_0, %arg1 : i32
    %scan3A = arith.constant 0 : i32
    %scan3A_1 = arith.constant 632 : i32
    %scan3A_2 = arith.addi %scan3A, %scan3A_1 : i32
    %scan3A_3 = arith.constant 1 : i32
    scf.for %scan3A_33 = %scan3A to %scan3A_2 step %scan3A_3  : i32 {
      %mul3A_34 = arith.constant 1 : i32
      %mul3A_35 = arith.muli %scan3A_33, %mul3A_34 : i32
      %add3A_36 = arith.constant 0 : i32
      %add3A_37 = arith.addi %add3A_36, %mul3A_35 : i32
      %broadcast_in_dim3A = arith.constant 0.000000e+00 : f32
      %broadcast_in_dim3A_38 = vector.broadcast %broadcast_in_dim3A : f32 to vector<16xf32>
      %swap3A = arith.index_cast %add3A_37 : i32 to index
      %swap3A_39 = arith.constant 0 : index
      %swap3A_40 = tpu.vector_load %arg10[%swap3A, %swap3A_39] {strides = array<i32>} : memref<632x16xf32, #tpu.memory_space<vmem>>, vector<1x16xf32>,
      %swap3A_41 = vector.shape_cast %swap3A_40 : vector<1x16xf32> to vector<16xf32>
      %swap3A_42 = vector.shape_cast %broadcast_in_dim3A_38 : vector<16xf32> to vector<1x16xf32>
      tpu.vector_store %arg10[%swap3A, %swap3A_39], %swap3A_42 {strides = array<i32>} : memref<632x16xf32, #tpu.memory_space<vmem>>, vector<1x16xf32>,
    }
    %scan3A_4 = arith.constant 632 : i32
    %mul3A_5 = arith.constant 632 : i32
    %mul3A_6 = arith.muli %arg1, %mul3A_5 : i32
    "tpu.region"() ({
      %run_scoped3A = tpu.sem_alloc : memref<!tpu.dma_semaphore, #tpu.memory_space<semaphore_mem>>
      %dma_start3A_33 = arith.constant 0 : i32
      %dma_start3A_34 = tpu.memref_slice %arg11[%mul3A_6, %dma_start3A_33] : memref<10112x16xf32, #tpu.memory_space<vmem_shared>> -> memref<632x16xf32, #tpu.memory_space<vmem_shared>>
      %dma_start3A_35 = arith.constant 0 : i32
      %dma_start3A_36 = tpu.memref_slice %arg11[%mul3A_6, %dma_start3A_35] : memref<10112x16xf32, #tpu.memory_space<vmem_shared>> -> memref<632x16xf32, #tpu.memory_space<vmem_shared>>
      tpu.enqueue_dma source(%arg10 : memref<632x16xf32, #tpu.memory_space<vmem>>) target(%dma_start3A_36 : memref<632x16xf32, #tpu.memory_space<vmem_shared>>) target_semaphore(%run_scoped3A : memref<!tpu.dma_semaphore, #tpu.memory_space<semaphore_mem>>)
      %dma_wait3A_37 = arith.constant 0 : i32
      %dma_wait3A_38 = tpu.memref_slice %arg11[%mul3A_6, %dma_wait3A_37] : memref<10112x16xf32, #tpu.memory_space<vmem_shared>> -> memref<632x16xf32, #tpu.memory_space<vmem_shared>>
      %dma_wait3A_39 = arith.constant 0 : i32
      %dma_wait3A_40 = tpu.memref_slice %arg11[%mul3A_6, %dma_wait3A_39] : memref<10112x16xf32, #tpu.memory_space<vmem_shared>> -> memref<632x16xf32, #tpu.memory_space<vmem_shared>>
      tpu.wait_dma2 semaphore(%run_scoped3A : memref<!tpu.dma_semaphore, #tpu.memory_space<semaphore_mem>>) src(%arg10 : memref<632x16xf32, #tpu.memory_space<vmem>>) dst(%dma_wait3A_40 : memref<632x16xf32, #tpu.memory_space<vmem_shared>>)
      tpu.yield
    }) : () -> ()
    %mul3A_7 = arith.constant 80 : i32
    %mul3A_8 = arith.muli %add3A, %mul3A_7 : i32
    "tpu.region"() ({
      %run_scoped3A = tpu.sem_alloc : memref<!tpu.dma_semaphore, #tpu.memory_space<semaphore_mem>>
      %dma_start3A_33 = arith.constant 0 : i32
      %dma_start3A_34 = tpu.memref_slice %arg3[%mul3A_8, %dma_start3A_33] : memref<2560x128xi32, #tpu.memory_space<hbm>> -> memref<80x128xi32, #tpu.memory_space<hbm>>
      %dma_start3A_35 = arith.constant 0 : i32
      %dma_start3A_36 = tpu.memref_slice %arg3[%mul3A_8, %dma_start3A_35] : memref<2560x128xi32, #tpu.memory_space<hbm>> -> memref<80x128xi32, #tpu.memory_space<hbm>>
      tpu.enqueue_dma source(%dma_start3A_36 : memref<80x128xi32, #tpu.memory_space<hbm>>) target(%arg6 : memref<80x128xi32, #tpu.memory_space<vmem>>) target_semaphore(%run_scoped3A : memref<!tpu.dma_semaphore, #tpu.memory_space<semaphore_mem>>)
      %dma_wait3A_37 = arith.constant 0 : i32
      %dma_wait3A_38 = tpu.memref_slice %arg3[%mul3A_8, %dma_wait3A_37] : memref<2560x128xi32, #tpu.memory_space<hbm>> -> memref<80x128xi32, #tpu.memory_space<hbm>>
      %dma_wait3A_39 = arith.constant 0 : i32
      %dma_wait3A_40 = tpu.memref_slice %arg3[%mul3A_8, %dma_wait3A_39] : memref<2560x128xi32, #tpu.memory_space<hbm>> -> memref<80x128xi32, #tpu.memory_space<hbm>>
      tpu.wait_dma2 semaphore(%run_scoped3A : memref<!tpu.dma_semaphore, #tpu.memory_space<semaphore_mem>>) src(%dma_wait3A_40 : memref<80x128xi32, #tpu.memory_space<hbm>>) dst(%arg6 : memref<80x128xi32, #tpu.memory_space<vmem>>)
      tpu.yield
    }) : () -> ()
    %mul3A_9 = arith.constant 80 : i32
    %mul3A_10 = arith.muli %add3A, %mul3A_9 : i32
    "tpu.region"() ({
      %run_scoped3A = tpu.sem_alloc : memref<!tpu.dma_semaphore, #tpu.memory_space<semaphore_mem>>
      %dma_start3A_33 = arith.constant 0 : i32
      %dma_start3A_34 = tpu.memref_slice %arg4[%mul3A_10, %dma_start3A_33] : memref<2560x128xi32, #tpu.memory_space<hbm>> -> memref<80x128xi32, #tpu.memory_space<hbm>>
      %dma_start3A_35 = arith.constant 0 : i32
      %dma_start3A_36 = tpu.memref_slice %arg4[%mul3A_10, %dma_start3A_35] : memref<2560x128xi32, #tpu.memory_space<hbm>> -> memref<80x128xi32, #tpu.memory_space<hbm>>
      tpu.enqueue_dma source(%dma_start3A_36 : memref<80x128xi32, #tpu.memory_space<hbm>>) target(%arg7 : memref<80x128xi32, #tpu.memory_space<vmem>>) target_semaphore(%run_scoped3A : memref<!tpu.dma_semaphore, #tpu.memory_space<semaphore_mem>>)
      %dma_wait3A_37 = arith.constant 0 : i32
      %dma_wait3A_38 = tpu.memref_slice %arg4[%mul3A_10, %dma_wait3A_37] : memref<2560x128xi32, #tpu.memory_space<hbm>> -> memref<80x128xi32, #tpu.memory_space<hbm>>
      %dma_wait3A_39 = arith.constant 0 : i32
      %dma_wait3A_40 = tpu.memref_slice %arg4[%mul3A_10, %dma_wait3A_39] : memref<2560x128xi32, #tpu.memory_space<hbm>> -> memref<80x128xi32, #tpu.memory_space<hbm>>
      tpu.wait_dma2 semaphore(%run_scoped3A : memref<!tpu.dma_semaphore, #tpu.memory_space<semaphore_mem>>) src(%dma_wait3A_40 : memref<80x128xi32, #tpu.memory_space<hbm>>) dst(%arg7 : memref<80x128xi32, #tpu.memory_space<vmem>>)
      tpu.yield
    }) : () -> ()
    %barrier3A = arith.constant 0 : index
    tpu.barrier barrier_id(%barrier3A)
    %dma_start3A = arith.constant 0 : i32
    %dma_start3A_11 = arith.constant 0 : i32
    %dma_start3A_12 = tpu.memref_slice %arg6[%dma_start3A, %dma_start3A_11] : memref<80x128xi32, #tpu.memory_space<vmem>> -> memref<1x128xi32, #tpu.memory_space<vmem>>
    %dma_start3A_13 = tpu.memref_squeeze %dma_start3A_12 : memref<1x128xi32, #tpu.memory_space<vmem>> -> memref<128xi32, #tpu.memory_space<vmem>>
    %dma_start3A_14 = arith.constant 0 : i32
    %dma_start3A_15 = arith.constant 0 : i32
    %dma_start3A_16 = tpu.memref_slice %arg2[%dma_start3A_14, %dma_start3A_15] : memref<10008x16xf32, #tpu.memory_space<hbm>> -> memref<10008x16xf32, #tpu.memory_space<hbm>>
    tpu.enqueue_indirect_dma source(%dma_start3A_16 : memref<10008x16xf32, #tpu.memory_space<hbm>>) target(%arg8 : memref<128x16xf32, #tpu.memory_space<vmem>>) offsets(%dma_start3A_13 : memref<128xi32, #tpu.memory_space<vmem>>) semaphore(%arg12 : memref<!tpu.dma_semaphore, #tpu.memory_space<semaphore_mem>>)
    %scan3A_17 = arith.constant 0 : i32
    %scan3A_18 = arith.constant 40 : i32
    %scan3A_19 = arith.addi %scan3A_17, %scan3A_18 : i32
    %scan3A_20 = arith.constant 1 : i32
    scf.for %scan3A_33 = %scan3A_17 to %scan3A_19 step %scan3A_20  : i32 {
      %mul3A_34 = arith.constant 2 : i32
      %mul3A_35 = arith.muli %scan3A_33, %mul3A_34 : i32
      %add3A_36 = arith.constant 0 : i32
      %add3A_37 = arith.addi %add3A_36, %mul3A_35 : i32
      %dma_wait3A_38 = arith.constant 0 : i32
      %dma_wait3A_39 = tpu.memref_slice %arg6[%add3A_37, %dma_wait3A_38] : memref<80x128xi32, #tpu.memory_space<vmem>> -> memref<1x128xi32, #tpu.memory_space<vmem>>
      %dma_wait3A_40 = tpu.memref_squeeze %dma_wait3A_39 : memref<1x128xi32, #tpu.memory_space<vmem>> -> memref<128xi32, #tpu.memory_space<vmem>>
      %dma_wait3A_41 = arith.constant 0 : i32
      %dma_wait3A_42 = arith.constant 0 : i32
      %dma_wait3A_43 = tpu.memref_slice %arg2[%dma_wait3A_41, %dma_wait3A_42] : memref<10008x16xf32, #tpu.memory_space<hbm>> -> memref<10008x16xf32, #tpu.memory_space<hbm>>
      tpu.wait_indirect_dma semaphore(%arg12 : memref<!tpu.dma_semaphore, #tpu.memory_space<semaphore_mem>>) src(%dma_wait3A_43 : memref<10008x16xf32, #tpu.memory_space<hbm>>) dst(%arg8 : memref<128x16xf32, #tpu.memory_space<vmem>>)
      %ge3A = arith.constant 1 : i32
      %ge3A_44 = arith.cmpi sge, %add3A_37, %ge3A : i32
      %convert_element_type3A = arith.extui %ge3A_44 : i1 to i32
      %cond3A = arith.constant 0 : i32
      %cond3A_45 = arith.cmpi ne, %convert_element_type3A, %cond3A : i32
      scf.if %cond3A_45 {
        %sub3A = arith.constant 1 : i32
        %sub3A_84 = arith.subi %add3A_37, %sub3A : i32
        %dma_wait3A_85 = arith.constant 0 : i32
        %dma_wait3A_86 = tpu.memref_slice %arg7[%sub3A_84, %dma_wait3A_85] : memref<80x128xi32, #tpu.memory_space<vmem>> -> memref<1x128xi32, #tpu.memory_space<vmem>>
        %dma_wait3A_87 = tpu.memref_squeeze %dma_wait3A_86 : memref<1x128xi32, #tpu.memory_space<vmem>> -> memref<128xi32, #tpu.memory_space<vmem>>
        %dma_wait3A_88 = arith.constant 0 : i32
        %dma_wait3A_89 = arith.constant 0 : i32
        %dma_wait3A_90 = tpu.memref_slice %arg11[%dma_wait3A_88, %dma_wait3A_89] : memref<10112x16xf32, #tpu.memory_space<vmem_shared>> -> memref<10112x16xf32, #tpu.memory_space<vmem_shared>>
        tpu.wait_indirect_dma semaphore(%arg15 : memref<!tpu.dma_semaphore, #tpu.memory_space<semaphore_mem>>) src(%arg9 : memref<128x16xf32, #tpu.memory_space<vmem>>) dst(%dma_wait3A_90 : memref<10112x16xf32, #tpu.memory_space<vmem_shared>>)
      } else {
      }
      %add3A_46 = arith.constant 1 : i32
      %add3A_47 = arith.addi %add3A_37, %add3A_46 : i32
      %lt3A = arith.constant 80 : i32
      %lt3A_48 = arith.cmpi slt, %add3A_47, %lt3A : i32
      %convert_element_type3A_49 = arith.extui %lt3A_48 : i1 to i32
      %cond3A_50 = arith.constant 0 : i32
      %cond3A_51 = arith.cmpi ne, %convert_element_type3A_49, %cond3A_50 : i32
      scf.if %cond3A_51 {
        %add3A_84 = arith.constant 1 : i32
        %add3A_85 = arith.addi %add3A_37, %add3A_84 : i32
        %dma_start3A_86 = arith.constant 0 : i32
        %dma_start3A_87 = tpu.memref_slice %arg6[%add3A_85, %dma_start3A_86] : memref<80x128xi32, #tpu.memory_space<vmem>> -> memref<1x128xi32, #tpu.memory_space<vmem>>
        %dma_start3A_88 = tpu.memref_squeeze %dma_start3A_87 : memref<1x128xi32, #tpu.memory_space<vmem>> -> memref<128xi32, #tpu.memory_space<vmem>>
        %dma_start3A_89 = arith.constant 0 : i32
        %dma_start3A_90 = arith.constant 0 : i32
        %dma_start3A_91 = tpu.memref_slice %arg2[%dma_start3A_89, %dma_start3A_90] : memref<10008x16xf32, #tpu.memory_space<hbm>> -> memref<10008x16xf32, #tpu.memory_space<hbm>>
        tpu.enqueue_indirect_dma source(%dma_start3A_91 : memref<10008x16xf32, #tpu.memory_space<hbm>>) target(%arg9 : memref<128x16xf32, #tpu.memory_space<vmem>>) offsets(%dma_start3A_88 : memref<128xi32, #tpu.memory_space<vmem>>) semaphore(%arg13 : memref<!tpu.dma_semaphore, #tpu.memory_space<semaphore_mem>>)
      } else {
      }
      %dma_start3A_52 = arith.constant 0 : i32
      %dma_start3A_53 = tpu.memref_slice %arg7[%add3A_37, %dma_start3A_52] : memref<80x128xi32, #tpu.memory_space<vmem>> -> memref<1x128xi32, #tpu.memory_space<vmem>>
      %dma_start3A_54 = tpu.memref_squeeze %dma_start3A_53 : memref<1x128xi32, #tpu.memory_space<vmem>> -> memref<128xi32, #tpu.memory_space<vmem>>
      %dma_start3A_55 = arith.constant 0 : i32
      %dma_start3A_56 = arith.constant 0 : i32
      %dma_start3A_57 = tpu.memref_slice %arg11[%dma_start3A_55, %dma_start3A_56] : memref<10112x16xf32, #tpu.memory_space<vmem_shared>> -> memref<10112x16xf32, #tpu.memory_space<vmem_shared>>
      tpu.enqueue_indirect_dma source(%arg8 : memref<128x16xf32, #tpu.memory_space<vmem>>) target(%dma_start3A_57 : memref<10112x16xf32, #tpu.memory_space<vmem_shared>>) offsets(%dma_start3A_54 : memref<128xi32, #tpu.memory_space<vmem>>) semaphore(%arg14 : memref<!tpu.dma_semaphore, #tpu.memory_space<semaphore_mem>>) {add = true}
      %add3A_58 = arith.constant 1 : i32
      %add3A_59 = arith.addi %add3A_37, %add3A_58 : i32
      %dma_wait3A_60 = arith.constant 0 : i32
      %dma_wait3A_61 = tpu.memref_slice %arg6[%add3A_59, %dma_wait3A_60] : memref<80x128xi32, #tpu.memory_space<vmem>> -> memref<1x128xi32, #tpu.memory_space<vmem>>
      %dma_wait3A_62 = tpu.memref_squeeze %dma_wait3A_61 : memref<1x128xi32, #tpu.memory_space<vmem>> -> memref<128xi32, #tpu.memory_space<vmem>>
      %dma_wait3A_63 = arith.constant 0 : i32
      %dma_wait3A_64 = arith.constant 0 : i32
      %dma_wait3A_65 = tpu.memref_slice %arg2[%dma_wait3A_63, %dma_wait3A_64] : memref<10008x16xf32, #tpu.memory_space<hbm>> -> memref<10008x16xf32, #tpu.memory_space<hbm>>
      tpu.wait_indirect_dma semaphore(%arg13 : memref<!tpu.dma_semaphore, #tpu.memory_space<semaphore_mem>>) src(%dma_wait3A_65 : memref<10008x16xf32, #tpu.memory_space<hbm>>) dst(%arg9 : memref<128x16xf32, #tpu.memory_space<vmem>>)
      %ge3A_66 = arith.constant 1 : i32
      %ge3A_67 = arith.cmpi sge, %add3A_59, %ge3A_66 : i32
      %convert_element_type3A_68 = arith.extui %ge3A_67 : i1 to i32
      %cond3A_69 = arith.constant 0 : i32
      %cond3A_70 = arith.cmpi ne, %convert_element_type3A_68, %cond3A_69 : i32
      scf.if %cond3A_70 {
        %sub3A = arith.constant 1 : i32
        %sub3A_84 = arith.subi %add3A_59, %sub3A : i32
        %dma_wait3A_85 = arith.constant 0 : i32
        %dma_wait3A_86 = tpu.memref_slice %arg7[%sub3A_84, %dma_wait3A_85] : memref<80x128xi32, #tpu.memory_space<vmem>> -> memref<1x128xi32, #tpu.memory_space<vmem>>
        %dma_wait3A_87 = tpu.memref_squeeze %dma_wait3A_86 : memref<1x128xi32, #tpu.memory_space<vmem>> -> memref<128xi32, #tpu.memory_space<vmem>>
        %dma_wait3A_88 = arith.constant 0 : i32
        %dma_wait3A_89 = arith.constant 0 : i32
        %dma_wait3A_90 = tpu.memref_slice %arg11[%dma_wait3A_88, %dma_wait3A_89] : memref<10112x16xf32, #tpu.memory_space<vmem_shared>> -> memref<10112x16xf32, #tpu.memory_space<vmem_shared>>
        tpu.wait_indirect_dma semaphore(%arg14 : memref<!tpu.dma_semaphore, #tpu.memory_space<semaphore_mem>>) src(%arg8 : memref<128x16xf32, #tpu.memory_space<vmem>>) dst(%dma_wait3A_90 : memref<10112x16xf32, #tpu.memory_space<vmem_shared>>)
      } else {
      }
      %add3A_71 = arith.constant 1 : i32
      %add3A_72 = arith.addi %add3A_59, %add3A_71 : i32
      %lt3A_73 = arith.constant 80 : i32
      %lt3A_74 = arith.cmpi slt, %add3A_72, %lt3A_73 : i32
      %convert_element_type3A_75 = arith.extui %lt3A_74 : i1 to i32
      %cond3A_76 = arith.constant 0 : i32
      %cond3A_77 = arith.cmpi ne, %convert_element_type3A_75, %cond3A_76 : i32
      scf.if %cond3A_77 {
        %add3A_84 = arith.constant 1 : i32
        %add3A_85 = arith.addi %add3A_59, %add3A_84 : i32
        %dma_start3A_86 = arith.constant 0 : i32
        %dma_start3A_87 = tpu.memref_slice %arg6[%add3A_85, %dma_start3A_86] : memref<80x128xi32, #tpu.memory_space<vmem>> -> memref<1x128xi32, #tpu.memory_space<vmem>>
        %dma_start3A_88 = tpu.memref_squeeze %dma_start3A_87 : memref<1x128xi32, #tpu.memory_space<vmem>> -> memref<128xi32, #tpu.memory_space<vmem>>
        %dma_start3A_89 = arith.constant 0 : i32
        %dma_start3A_90 = arith.constant 0 : i32
        %dma_start3A_91 = tpu.memref_slice %arg2[%dma_start3A_89, %dma_start3A_90] : memref<10008x16xf32, #tpu.memory_space<hbm>> -> memref<10008x16xf32, #tpu.memory_space<hbm>>
        tpu.enqueue_indirect_dma source(%dma_start3A_91 : memref<10008x16xf32, #tpu.memory_space<hbm>>) target(%arg8 : memref<128x16xf32, #tpu.memory_space<vmem>>) offsets(%dma_start3A_88 : memref<128xi32, #tpu.memory_space<vmem>>) semaphore(%arg12 : memref<!tpu.dma_semaphore, #tpu.memory_space<semaphore_mem>>)
      } else {
      }
      %dma_start3A_78 = arith.constant 0 : i32
      %dma_start3A_79 = tpu.memref_slice %arg7[%add3A_59, %dma_start3A_78] : memref<80x128xi32, #tpu.memory_space<vmem>> -> memref<1x128xi32, #tpu.memory_space<vmem>>
      %dma_start3A_80 = tpu.memref_squeeze %dma_start3A_79 : memref<1x128xi32, #tpu.memory_space<vmem>> -> memref<128xi32, #tpu.memory_space<vmem>>
      %dma_start3A_81 = arith.constant 0 : i32
      %dma_start3A_82 = arith.constant 0 : i32
      %dma_start3A_83 = tpu.memref_slice %arg11[%dma_start3A_81, %dma_start3A_82] : memref<10112x16xf32, #tpu.memory_space<vmem_shared>> -> memref<10112x16xf32, #tpu.memory_space<vmem_shared>>
      tpu.enqueue_indirect_dma source(%arg9 : memref<128x16xf32, #tpu.memory_space<vmem>>) target(%dma_start3A_83 : memref<10112x16xf32, #tpu.memory_space<vmem_shared>>) offsets(%dma_start3A_80 : memref<128xi32, #tpu.memory_space<vmem>>) semaphore(%arg15 : memref<!tpu.dma_semaphore, #tpu.memory_space<semaphore_mem>>) {add = true}
    }
    %scan3A_21 = arith.constant 40 : i32
    %dma_wait3A = arith.constant 79 : i32
    %dma_wait3A_22 = arith.constant 0 : i32
    %dma_wait3A_23 = tpu.memref_slice %arg7[%dma_wait3A, %dma_wait3A_22] : memref<80x128xi32, #tpu.memory_space<vmem>> -> memref<1x128xi32, #tpu.memory_space<vmem>>
    %dma_wait3A_24 = tpu.memref_squeeze %dma_wait3A_23 : memref<1x128xi32, #tpu.memory_space<vmem>> -> memref<128xi32, #tpu.memory_space<vmem>>
    %dma_wait3A_25 = arith.constant 0 : i32
    %dma_wait3A_26 = arith.constant 0 : i32
    %dma_wait3A_27 = tpu.memref_slice %arg11[%dma_wait3A_25, %dma_wait3A_26] : memref<10112x16xf32, #tpu.memory_space<vmem_shared>> -> memref<10112x16xf32, #tpu.memory_space<vmem_shared>>
    tpu.wait_indirect_dma semaphore(%arg15 : memref<!tpu.dma_semaphore, #tpu.memory_space<semaphore_mem>>) src(%arg9 : memref<128x16xf32, #tpu.memory_space<vmem>>) dst(%dma_wait3A_27 : memref<10112x16xf32, #tpu.memory_space<vmem_shared>>)
    %barrier3A_28 = arith.constant 0 : index
    tpu.barrier barrier_id(%barrier3A_28)
    %mul3A_29 = arith.constant 632 : i32
    %mul3A_30 = arith.muli %arg1, %mul3A_29 : i32
    %mul3A_31 = arith.constant 632 : i32
    %mul3A_32 = arith.muli %arg1, %mul3A_31 : i32
    "tpu.region"() ({
      %run_scoped3A = tpu.sem_alloc : memref<!tpu.dma_semaphore, #tpu.memory_space<semaphore_mem>>
      %dma_start3A_33 = arith.constant 0 : i32
      %dma_start3A_34 = tpu.memref_slice %arg5[%arg0, %mul3A_32, %dma_start3A_33] : memref<2x10112x16xf32, #tpu.memory_space<hbm>> -> memref<1x632x16xf32, #tpu.memory_space<hbm>>
      %dma_start3A_35 = tpu.memref_squeeze %dma_start3A_34 : memref<1x632x16xf32, #tpu.memory_space<hbm>> -> memref<632x16xf32, #tpu.memory_space<hbm>>
      %dma_start3A_36 = arith.constant 0 : i32
      %dma_start3A_37 = tpu.memref_slice %arg11[%mul3A_30, %dma_start3A_36] : memref<10112x16xf32, #tpu.memory_space<vmem_shared>> -> memref<632x16xf32, #tpu.memory_space<vmem_shared>>
      tpu.enqueue_dma source(%dma_start3A_37 : memref<632x16xf32, #tpu.memory_space<vmem_shared>>) target(%dma_start3A_35 : memref<632x16xf32, #tpu.memory_space<hbm>>) target_semaphore(%run_scoped3A : memref<!tpu.dma_semaphore, #tpu.memory_space<semaphore_mem>>)
      %dma_wait3A_38 = arith.constant 0 : i32
      %dma_wait3A_39 = tpu.memref_slice %arg5[%arg0, %mul3A_32, %dma_wait3A_38] : memref<2x10112x16xf32, #tpu.memory_space<hbm>> -> memref<1x632x16xf32, #tpu.memory_space<hbm>>
      %dma_wait3A_40 = tpu.memref_squeeze %dma_wait3A_39 : memref<1x632x16xf32, #tpu.memory_space<hbm>> -> memref<632x16xf32, #tpu.memory_space<hbm>>
      %dma_wait3A_41 = arith.constant 0 : i32
      %dma_wait3A_42 = tpu.memref_slice %arg11[%mul3A_30, %dma_wait3A_41] : memref<10112x16xf32, #tpu.memory_space<vmem_shared>> -> memref<632x16xf32, #tpu.memory_space<vmem_shared>>
      tpu.wait_dma2 semaphore(%run_scoped3A : memref<!tpu.dma_semaphore, #tpu.memory_space<semaphore_mem>>) src(%dma_wait3A_42 : memref<632x16xf32, #tpu.memory_space<vmem_shared>>) dst(%dma_wait3A_40 : memref<632x16xf32, #tpu.memory_space<hbm>>)
      tpu.yield
    }) : () -> ()
    return
  }
}

module attributes {stable_mosaic.version = 14 : i64} {
  func.func @_tc1(%arg0: memref<10000x128xf32, #tpu.memory_space<vmem>>, %arg1: memref<128x16xf32, #tpu.memory_space<vmem>>, %arg2: memref<10112x32xf32, #tpu.memory_space<vmem>>, %arg3: memref<10008x16xf32, #tpu.memory_space<vmem>>) attributes {dimension_semantics = [], scalar_prefetch = 0 : i64, scratch_operands = 0 : i64, tpu.core_type = #tpu.core_type<tc>} {
    %get3A = arith.constant 0 : index
    %get3A_0 = arith.constant 0 : index
    %get3A_1 = vector.load %arg2[%get3A, %get3A_0] : memref<10112x32xf32, #tpu.memory_space<vmem>>, vector<10112x32xf32>
    %reduce_sum3A = arith.constant dense<0.000000e+00> : vector<10112xf32>
    %reduce_sum3A_2 = vector.multi_reduction <add>, %get3A_1, %reduce_sum3A [1] : vector<10112x32xf32> to vector<10112xf32>
    %broadcast_in_dim3A = vector.shape_cast %reduce_sum3A_2 : vector<10112xf32> to vector<10112x1xf32>
    %add3A = arith.constant 1.000000e+00 : f32
    %add3A_3 = vector.broadcast %add3A : f32 to vector<10112x1xf32>
    %add3A_4 = arith.addf %broadcast_in_dim3A, %add3A_3 : vector<10112x1xf32>
    %rsqrt3A = math.rsqrt %add3A_4 : vector<10112x1xf32>
    %get3A_5 = arith.constant 0 : index
    %get3A_6 = arith.constant 0 : index
    %get3A_7 = vector.load %arg0[%get3A_5, %get3A_6] : memref<10000x128xf32, #tpu.memory_space<vmem>>, vector<10000x128xf32>
    %get3A_8 = arith.constant 0 : index
    %get3A_9 = arith.constant 0 : index
    %get3A_10 = vector.load %arg1[%get3A_8, %get3A_9] : memref<128x16xf32, #tpu.memory_space<vmem>>, vector<128x16xf32>
    %dot_general3A = arith.constant dense<0.000000e+00> : vector<10000x16xf32>
    %dot_general3A_11 = tpu.matmul %get3A_7, %get3A_10, %dot_general3A {dimension_numbers = #tpu.dot_dimension_numbers<[1], [0], [0], [1], [0, 0, 1, 1], [], []>, precision = #tpu.contract_precision<fp32>, transpose_lhs_hint = false} : vector<10000x128xf32>, vector<128x16xf32>, vector<10000x16xf32> -> vector<10000x16xf32>
    %slice3A = vector.extract_strided_slice %rsqrt3A {offsets = [0, 0], sizes = [10000, 1], strides = [1, 1]} : vector<10112x1xf32> to vector<10000x1xf32>
    %mul3A = vector.broadcast %slice3A : vector<10000x1xf32> to vector<10000x16xf32>
    %mul3A_12 = arith.mulf %dot_general3A_11, %mul3A : vector<10000x16xf32>
    %swap3A = arith.constant 0 : index
    %swap3A_13 = arith.constant 0 : index
    %swap3A_14 = vector.load %arg3[%swap3A, %swap3A_13] : memref<10008x16xf32, #tpu.memory_space<vmem>>, vector<10000x16xf32>
    tpu.vector_store %arg3[%swap3A, %swap3A_13], %mul3A_12 {strides = array<i32>} : memref<10008x16xf32, #tpu.memory_space<vmem>>, vector<10000x16xf32>,
    %broadcast_in_dim3A_15 = arith.constant 0.000000e+00 : f32
    %broadcast_in_dim3A_16 = vector.broadcast %broadcast_in_dim3A_15 : f32 to vector<8x16xf32>
    %swap3A_17 = arith.constant 10000 : index
    %swap3A_18 = arith.constant 0 : index
    %swap3A_19 = vector.load %arg3[%swap3A_17, %swap3A_18] : memref<10008x16xf32, #tpu.memory_space<vmem>>, vector<8x16xf32>
    tpu.vector_store %arg3[%swap3A_17, %swap3A_18], %broadcast_in_dim3A_16 {strides = array<i32>} : memref<10008x16xf32, #tpu.memory_space<vmem>>, vector<8x16xf32>,
    return
  }
}

module attributes {stable_mosaic.version = 14 : i64} {
  func.func @_tc2(%arg0: memref<2x10112x16xf32, #tpu.memory_space<vmem>>, %arg1: memref<10008x16xf32, #tpu.memory_space<vmem>>, %arg2: memref<10112x32xf32, #tpu.memory_space<vmem>>, %arg3: memref<1x16xf32, #tpu.memory_space<vmem>>, %arg4: memref<10008x16xf32, #tpu.memory_space<vmem>>) attributes {dimension_semantics = [], scalar_prefetch = 0 : i64, scratch_operands = 0 : i64, tpu.core_type = #tpu.core_type<tc>} {
    %get3A = arith.constant 0 : index
    %get3A_0 = arith.constant 0 : index
    %get3A_1 = vector.load %arg2[%get3A, %get3A_0] : memref<10112x32xf32, #tpu.memory_space<vmem>>, vector<10112x32xf32>
    %reduce_sum3A = arith.constant dense<0.000000e+00> : vector<10112xf32>
    %reduce_sum3A_2 = vector.multi_reduction <add>, %get3A_1, %reduce_sum3A [1] : vector<10112x32xf32> to vector<10112xf32>
    %broadcast_in_dim3A = vector.shape_cast %reduce_sum3A_2 : vector<10112xf32> to vector<10112x1xf32>
    %add3A = arith.constant 1.000000e+00 : f32
    %add3A_3 = vector.broadcast %add3A : f32 to vector<10112x1xf32>
    %add3A_4 = arith.addf %broadcast_in_dim3A, %add3A_3 : vector<10112x1xf32>
    %rsqrt3A = math.rsqrt %add3A_4 : vector<10112x1xf32>
    %slice3A = vector.extract_strided_slice %rsqrt3A {offsets = [0, 0], sizes = [10000, 1], strides = [1, 1]} : vector<10112x1xf32> to vector<10000x1xf32>
    %get3A_5 = arith.constant 0 : index
    %get3A_6 = arith.constant 0 : index
    %get3A_7 = arith.constant 0 : index
    %get3A_8 = vector.load %arg0[%get3A_5, %get3A_6, %get3A_7] : memref<2x10112x16xf32, #tpu.memory_space<vmem>>, vector<1x10000x16xf32>
    %get3A_9 = vector.shape_cast %get3A_8 : vector<1x10000x16xf32> to vector<10000x16xf32>
    %get3A_10 = arith.constant 1 : index
    %get3A_11 = arith.constant 0 : index
    %get3A_12 = arith.constant 0 : index
    %get3A_13 = vector.load %arg0[%get3A_10, %get3A_11, %get3A_12] : memref<2x10112x16xf32, #tpu.memory_space<vmem>>, vector<1x10000x16xf32>
    %get3A_14 = vector.shape_cast %get3A_13 : vector<1x10000x16xf32> to vector<10000x16xf32>
    %add3A_15 = arith.addf %get3A_9, %get3A_14 : vector<10000x16xf32>
    %get3A_16 = arith.constant 0 : index
    %get3A_17 = arith.constant 0 : index
    %get3A_18 = vector.load %arg1[%get3A_16, %get3A_17] : memref<10008x16xf32, #tpu.memory_space<vmem>>, vector<10000x16xf32>
    %add3A_19 = arith.addf %add3A_15, %get3A_18 : vector<10000x16xf32>
    %mul3A = vector.broadcast %slice3A : vector<10000x1xf32> to vector<10000x16xf32>
    %mul3A_20 = arith.mulf %mul3A, %add3A_19 : vector<10000x16xf32>
    %get3A_21 = arith.constant 0 : index
    %get3A_22 = arith.constant 0 : index
    %get3A_23 = vector.load %arg3[%get3A_21, %get3A_22] : memref<1x16xf32, #tpu.memory_space<vmem>>, vector<1x16xf32>
    %add3A_24 = vector.broadcast %get3A_23 : vector<1x16xf32> to vector<10000x16xf32>
    %add3A_25 = arith.addf %mul3A_20, %add3A_24 : vector<10000x16xf32>
    %max3A = arith.constant 0.000000e+00 : f32
    %max3A_26 = vector.broadcast %max3A : f32 to vector<10000x16xf32>
    %max3A_27 = arith.maximumf %add3A_25, %max3A_26 : vector<10000x16xf32>
    %mul3A_28 = vector.broadcast %slice3A : vector<10000x1xf32> to vector<10000x16xf32>
    %mul3A_29 = arith.mulf %mul3A_28, %max3A_27 : vector<10000x16xf32>
    %swap3A = arith.constant 0 : index
    %swap3A_30 = arith.constant 0 : index
    %swap3A_31 = vector.load %arg4[%swap3A, %swap3A_30] : memref<10008x16xf32, #tpu.memory_space<vmem>>, vector<10000x16xf32>
    tpu.vector_store %arg4[%swap3A, %swap3A_30], %mul3A_29 {strides = array<i32>} : memref<10008x16xf32, #tpu.memory_space<vmem>>, vector<10000x16xf32>,
    %broadcast_in_dim3A_32 = arith.constant 0.000000e+00 : f32
    %broadcast_in_dim3A_33 = vector.broadcast %broadcast_in_dim3A_32 : f32 to vector<8x16xf32>
    %swap3A_34 = arith.constant 10000 : index
    %swap3A_35 = arith.constant 0 : index
    %swap3A_36 = vector.load %arg4[%swap3A_34, %swap3A_35] : memref<10008x16xf32, #tpu.memory_space<vmem>>, vector<8x16xf32>
    tpu.vector_store %arg4[%swap3A_34, %swap3A_35], %broadcast_in_dim3A_33 {strides = array<i32>} : memref<10008x16xf32, #tpu.memory_space<vmem>>, vector<8x16xf32>,
    return
  }
}

module attributes {stable_mosaic.version = 14 : i64} {
  func.func @_tc3(%arg0: memref<2x10112x16xf32, #tpu.memory_space<vmem>>, %arg1: memref<10008x16xf32, #tpu.memory_space<vmem>>, %arg2: memref<10112x32xf32, #tpu.memory_space<vmem>>, %arg3: memref<16x128xf32, #tpu.memory_space<vmem>>, %arg4: memref<1x128xf32, #tpu.memory_space<vmem>>, %arg5: memref<10000x128xf32, #tpu.memory_space<vmem>>) attributes {dimension_semantics = [], scalar_prefetch = 0 : i64, scratch_operands = 0 : i64, tpu.core_type = #tpu.core_type<tc>} {
    %get3A = arith.constant 0 : index
    %get3A_0 = arith.constant 0 : index
    %get3A_1 = vector.load %arg2[%get3A, %get3A_0] : memref<10112x32xf32, #tpu.memory_space<vmem>>, vector<10112x32xf32>
    %reduce_sum3A = arith.constant dense<0.000000e+00> : vector<10112xf32>
    %reduce_sum3A_2 = vector.multi_reduction <add>, %get3A_1, %reduce_sum3A [1] : vector<10112x32xf32> to vector<10112xf32>
    %broadcast_in_dim3A = vector.shape_cast %reduce_sum3A_2 : vector<10112xf32> to vector<10112x1xf32>
    %add3A = arith.constant 1.000000e+00 : f32
    %add3A_3 = vector.broadcast %add3A : f32 to vector<10112x1xf32>
    %add3A_4 = arith.addf %broadcast_in_dim3A, %add3A_3 : vector<10112x1xf32>
    %rsqrt3A = math.rsqrt %add3A_4 : vector<10112x1xf32>
    %slice3A = vector.extract_strided_slice %rsqrt3A {offsets = [0, 0], sizes = [10000, 1], strides = [1, 1]} : vector<10112x1xf32> to vector<10000x1xf32>
    %get3A_5 = arith.constant 0 : index
    %get3A_6 = arith.constant 0 : index
    %get3A_7 = arith.constant 0 : index
    %get3A_8 = vector.load %arg0[%get3A_5, %get3A_6, %get3A_7] : memref<2x10112x16xf32, #tpu.memory_space<vmem>>, vector<1x10000x16xf32>
    %get3A_9 = vector.shape_cast %get3A_8 : vector<1x10000x16xf32> to vector<10000x16xf32>
    %get3A_10 = arith.constant 1 : index
    %get3A_11 = arith.constant 0 : index
    %get3A_12 = arith.constant 0 : index
    %get3A_13 = vector.load %arg0[%get3A_10, %get3A_11, %get3A_12] : memref<2x10112x16xf32, #tpu.memory_space<vmem>>, vector<1x10000x16xf32>
    %get3A_14 = vector.shape_cast %get3A_13 : vector<1x10000x16xf32> to vector<10000x16xf32>
    %add3A_15 = arith.addf %get3A_9, %get3A_14 : vector<10000x16xf32>
    %get3A_16 = arith.constant 0 : index
    %get3A_17 = arith.constant 0 : index
    %get3A_18 = vector.load %arg1[%get3A_16, %get3A_17] : memref<10008x16xf32, #tpu.memory_space<vmem>>, vector<10000x16xf32>
    %add3A_19 = arith.addf %add3A_15, %get3A_18 : vector<10000x16xf32>
    %mul3A = vector.broadcast %slice3A : vector<10000x1xf32> to vector<10000x16xf32>
    %mul3A_20 = arith.mulf %mul3A, %add3A_19 : vector<10000x16xf32>
    %get3A_21 = arith.constant 0 : index
    %get3A_22 = arith.constant 0 : index
    %get3A_23 = vector.load %arg3[%get3A_21, %get3A_22] : memref<16x128xf32, #tpu.memory_space<vmem>>, vector<16x128xf32>
    %dot_general3A = arith.constant dense<0.000000e+00> : vector<10000x128xf32>
    %dot_general3A_24 = tpu.matmul %mul3A_20, %get3A_23, %dot_general3A {dimension_numbers = #tpu.dot_dimension_numbers<[1], [0], [0], [1], [0, 0, 1, 1], [], []>, precision = #tpu.contract_precision<fp32>, transpose_lhs_hint = false} : vector<10000x16xf32>, vector<16x128xf32>, vector<10000x128xf32> -> vector<10000x128xf32>
    %get3A_25 = arith.constant 0 : index
    %get3A_26 = arith.constant 0 : index
    %get3A_27 = vector.load %arg4[%get3A_25, %get3A_26] : memref<1x128xf32, #tpu.memory_space<vmem>>, vector<1x128xf32>
    %add3A_28 = vector.broadcast %get3A_27 : vector<1x128xf32> to vector<10000x128xf32>
    %add3A_29 = arith.addf %dot_general3A_24, %add3A_28 : vector<10000x128xf32>
    %swap3A = arith.constant 0 : index
    %swap3A_30 = arith.constant 0 : index
    %swap3A_31 = vector.load %arg5[%swap3A, %swap3A_30] : memref<10000x128xf32, #tpu.memory_space<vmem>>, vector<10000x128xf32>
    tpu.vector_store %arg5[%swap3A, %swap3A_30], %add3A_29 {strides = array<i32>} : memref<10000x128xf32, #tpu.memory_space<vmem>>, vector<10000x128xf32>,
    return
  }
}

</mosaic_0001>

<sc_bundles>
// kernel: kernel.11.cloned.1.call-start
scs
__scs_entry_jumppad:
0x0: {  	(pc) =	sbr.rel $0x88, $3  }
0x1: {  	(tag) =	ssettag $0x0;
	lr =	simm.s32 $0x1  }
0x2: {  	[smem:$0x3F9B] =	sst lr;
	_ =	strace $0xD0000000  }
0x3: {  	_ = 	snop  }
0x4: {  	_ = 	snop  }
0x5: {  	_ = 	snop  }
0x6: {  	_ = 	snop  }
0x7: {  	_ = 	snop  }
__scs_overlays_trampoline_lowered:
0x8: {  	[smem:$0x3FAA] =	sst s0  }
0x9: {  	[smem:$0x3FAB] =	sst s1  }
0xa: {  	[smem:$0x3FAC] =	sst s2  }
0xb: {  	[smem:$0x3FAD] =	sst s3  }
0xc: {  	[smem:$0x3FAE] =	sst s4  }
0xd: {  	[smem:$0x3FAF] =	sst s5  }
0xe: {  	[smem:$0x3FB0] =	sst s6  }
0xf: {  	[smem:$0x3FB1] =	sst s7  }
0x10: {  	[smem:$0x3FB2] =	sst s8  }
0x11: {  	[smem:$0x3FB3] =	sst s9;
	s0 =	simm.s32 @!p0 $0x0  }
0x12: {  	s1 =	sld [smem:$0x3F99];
	s0 =	simm.s32 @p0 $0x1  }
0x13: {  	[smem:$0x3FB4] =	sst s0;
	s0 =	simm.s32 @!p1 $0x0  }
0x14: {  	s2 =	sld [smem:$0x3F98];
	s0 =	simm.s32 @p1 $0x1  }
0x15: {  	[smem:$0x3FB5] =	sst s0;
	s0 =	simm.s32 @!p2 $0x0  }
0x16: {  	s3 =	sld [smem:$0x3FDB];
	s0 =	simm.s32 @p2 $0x1  }
0x17: {  	s4 =	simm.s32 $0x1BF5;
	[smem:$0x3FB7] =	sst s0  }
0x18: {  	s0 =	sld [smem:$0x3F9A];
	_ =	swait.ge [sflag:s4], $0x0  }
0x19: {  	s7 =	sld [smem:$0x3F9B]  }
0x1a: {  	s8 =	sadd.s32 $0xFFFFE003, lr  }
0x1b: {  	s9 =	sadd.s32 $0xFFFFFEF7, lr;
	s5 =	simm.s32 $0xFFFFFFFF;
	p2 =	slt.u32 s8, $0xFFFFF086  }
0x1c: {  	p1 =	slt.u32 s9, $0xF7A;
	s5 =	simm.s32 @!p2 $0x0  }
0x1d: {  	s5 =	simm.s32 @p1 $0x1;
	p0 =	seq.s32 s7, s2  }
0x1e: {  	s7 =	smul.u32 @!p0 $0xF7A, s2;
	p2 =	seq.s32 @!p0 s5, $0x0  }
0x1f: {  	s9 =	smul.u32 $0xF7A, s1;
	s8 =	simm.s32 @!p0 $0x1BF5;
	p2 =	por !p2, p0  }
0x20: {  	[sflag:s8] =	ssyncset.s32 @!p0 $0xFFFFF086;
	s6 =	sadd.s32 @!p0 s3, s7;
	s7 =	simm.s32 @!p0 $0x108  }
0x21: {  	s3 =	sadd.s32 s3, s9;
	s6 =	sadd.s32 @!p0 $0x88, s6;
	s7 =	simm.s32 @p2 $0x1082  }
0x22: {  	[simem:s7], [sflag:s8] =	dma.local @!p0 [hbm:s6], $0xF7A  }
0x23: {  	s9 =	sor.u32 $0xD0000000, s2;
	s6 =	simm.s32 $0x108;
	_ =	swait.ge @!p0 [sflag:s8], $0x0  }
0x24: {  	s3 =	sadd.s32 $0x88, s3;
	s6 =	simm.s32 @!p1 $0x1082;
	[sflag:s4] =	ssyncset.s32 $0xFFFFF086  }
0x25: {  	[simem:s6], [sflag:s4] =	dma.local [hbm:s3], $0xF7A  }
0x26: {  	[smem:$0x3F9B] =	sst s1;
	(tag) =	ssettag s2;
	_ =	strace s9  }
0x27: {  	s1 =	sld [smem:$0x3FAB]  }
0x28: {  	s2 =	sld [smem:$0x3FAC]  }
0x29: {  	s4 =	sld [smem:$0x3FAE]  }
0x2a: {  	p0 =	seq.s32 s5, $0x0;
	s5 =	sld [smem:$0x3FAF]  }
0x2b: {  	s6 =	sld [smem:$0x3FB0]  }
0x2c: {  	s7 =	sld [smem:$0x3FB1]  }
0x2d: {  	s3 =	simm.s32 $0x108;
	s8 =	sld [smem:$0x3FB2]  }
0x2e: {  	s3 =	simm.s32 @!p0 $0x1082;
	s9 =	sld [smem:$0x3FB3]  }
0x2f: {  	lr =	sadd.s32 s0, s3;
	s0 =	sld [smem:$0x3FAA]  }
0x30: {  	s3 =	sld [smem:$0x3FAD]  }
0x31: {  	[smem:$0x3FB6] =	sst s10  }
0x32: {  	s10 =	sld [smem:$0x3FB4];
	_ =	sdelay $0x3  }
0x33: {  	p0 =	seq.s32 s10, $0x1;
	s10 =	sld [smem:$0x3FB6];
	_ =	sdelay $0x3  }
0x34: {  	[smem:$0x3FB6] =	sst s10  }
0x35: {  	s10 =	sld [smem:$0x3FB5];
	_ =	sdelay $0x3  }
0x36: {  	p1 =	seq.s32 s10, $0x1;
	s10 =	sld [smem:$0x3FB6];
	_ =	sdelay $0x3  }
0x37: {  	[smem:$0x3FB6] =	sst s10  }
0x38: {  	s10 =	sld [smem:$0x3FB7]  }
0x39: {  	_ = 	snop;
	(pc) =	sbr.ind lr, $3  }
0x3a: {  	_ = 	snop  }
0x3b: {  	_ = 	snop  }
0x3c: {  	p2 =	seq.s32 s10, $0x1;
	s10 =	sld [smem:$0x3FB6]  }
0x3d: {  	_ =	shalt  }
0x3e: {  	_ =	shalt  }
0x3f: {  	_ =	shalt  }
0x40: {  	_ =	shalt  }
0x41: {  	_ =	shalt  }
0x42: {  	_ =	shalt  }
0x43: {  	_ =	shalt  }
0x44: {  	_ =	shalt  }
0x45: {  	_ =	shalt  }
0x46: {  	_ =	shalt  }
0x47: {  	_ =	shalt  }
0x48: {  	_ =	shalt  }
0x49: {  	_ =	shalt  }
0x4a: {  	_ =	shalt  }
0x4b: {  	_ =	shalt  }
0x4c: {  	_ =	shalt  }
0x4d: {  	_ =	shalt  }
0x4e: {  	_ =	shalt  }
0x4f: {  	_ =	shalt  }
0x50: {  	_ =	shalt  }
0x51: {  	_ =	shalt  }
0x52: {  	_ =	shalt  }
0x53: {  	_ =	shalt  }
0x54: {  	_ =	shalt  }
0x55: {  	_ =	shalt  }
0x56: {  	_ =	shalt  }
0x57: {  	_ =	shalt  }
0x58: {  	_ =	shalt  }
0x59: {  	_ =	shalt  }
0x5a: {  	_ =	shalt  }
0x5b: {  	_ =	shalt  }
0x5c: {  	_ =	shalt  }
0x5d: {  	_ =	shalt  }
0x5e: {  	_ =	shalt  }
0x5f: {  	_ =	shalt  }
0x60: {  	_ =	shalt  }
0x61: {  	_ =	shalt  }
0x62: {  	_ =	shalt  }
0x63: {  	_ =	shalt  }
0x64: {  	_ =	shalt  }
0x65: {  	_ =	shalt  }
0x66: {  	_ =	shalt  }
0x67: {  	_ =	shalt  }
0x68: {  	_ =	shalt  }
0x69: {  	_ =	shalt  }
0x6a: {  	_ =	shalt  }
0x6b: {  	_ =	shalt  }
0x6c: {  	_ =	shalt  }
0x6d: {  	_ =	shalt  }
0x6e: {  	_ =	shalt  }
0x6f: {  	_ =	shalt  }
0x70: {  	_ =	shalt  }
0x71: {  	_ =	shalt  }
0x72: {  	_ =	shalt  }
0x73: {  	_ =	shalt  }
0x74: {  	_ =	shalt  }
0x75: {  	_ =	shalt  }
0x76: {  	_ =	shalt  }
0x77: {  	_ =	shalt  }
0x78: {  	_ =	shalt  }
0x79: {  	_ =	shalt  }
0x7a: {  	_ =	shalt  }
0x7b: {  	_ =	shalt  }
0x7c: {  	_ =	shalt  }
0x7d: {  	_ =	shalt  }
0x7e: {  	_ =	shalt  }
0x7f: {  	_ =	shalt  }
0x80: {  	_ =	shalt  }
0x81: {  	_ =	shalt  }
0x82: {  	_ =	shalt  }
0x83: {  	_ =	shalt  }
0x84: {  	_ =	shalt  }
0x85: {  	_ =	shalt  }
0x86: {  	_ =	shalt  }
0x87: {  	_ =	shalt  }
.Lfunc_end0:
.L_simem_size_0:
called_computation.1_lowered:
.L_overlay_start_0:
0x88: {  	s2 =	sld [smem:$0x3FD9]  }
0x89: {  	s3 =	sld [smem:$0x3FFE];
	_ =	sdelay $0x1  }
0x8a: {  	s1 =	srdreg.scid  }
0x8b: {  	s0 =	sand.u32 $0x1, s1  }
0x8c: {  	s17 =	sshll.u32 s0, $0xA;
	s2 =	sadd.s32 s3, s2  }
0x8d: {  	s2 =	sadd.s32 s2, s17  }
0x8e: {  	[smem:$0x3FC2] =	sst s2  }
0x8f: {  	_ = 	snop  }
0x90: {  	s2 =	sld [smem:$0x3FD0];
	(tm) =	ssettm $0x1  }
0x91: {  	s18 =	sld [smem:$0x3FFB];
	_ =	sdelay $0x3  }
0x92: {  	_ =	strace s18  }
0x93: {  	s3 =	sld [smem:$0x3FFC];
	_ =	sdelay $0x3  }
0x94: {  	_ =	strace s3  }
0x95: {  	s3 =	sld [smem:$0x3FFD];
	_ =	sdelay $0x3  }
0x96: {  	_ =	strace s3  }
0x97: {  	_ =	strace $0x8FFFFFFF  }
0x98: {  	s19 =	sld [smem:$0x3FDB];
	_ =	sdelay $0x1  }
0x99: {  	s4 =	simm.s32 $_scs_section_size  }
0x9a: {  	s5 =	simm.s32 $_size__tile_overlayer_lowered;
	s6 =	simm.s32 $_tile_overlayer_lowered  }
0x9b: {  	s22 =	simm.s32 $0x1BFF;
	s21 =	sshll.u32 s6, $0x1;
	s3 =	sadd.s32 s4, s19  }
0x9c: {  	s7 =	simm.s32 $0x0;
	s20 =	sshll.u32 s5, $0x1;
	s5 =	sadd.s32 s21, s3  }
0x9d: {  	[timem:s7], [sflag:s22] =	dma.local [hbm:s5], s20  }
0x9e: {  	_ =	swait.ge [sflag:s22], s20  }
0x9f: {  	s4 =	ssub.s32 $0x0, s20;
	[sflag:s22] =	ssyncset.done $0x0  }
0xa0: {  	[sflag:s22] =	ssyncadd.s32 s4;
	_ =	sdelay $0x1  }
0xa1: {  	s23 =	simm.s32 $0x1B8B  }
0xa2: {  	_ =	swait.ge [sflag:s23], $0x1  }
0xa3: {  	[sflag:s23] =	ssyncset.done $0x0  }
0xa4: {  	s25 =	simm.s32 $0x1B8E;
	s24 =	sld [smem:$0x3FFE];
	[sflag:s23] =	ssyncadd.s32 $0xFFFFFFFF  }
0xa5: {  	s26 =	simm.s32 $execute0_lowered;
	[smem:$0x3FD2] =	sst s25  }
0xa6: {  	s5 =	sshll.u32 s26, $0x1;
	_ =	strace $0x80000049;
	[dreg:$0x1] =	wrdreg $0xFFFFFFFF  }
0xa7: {  	s28 =	simm.s32 $_size_execute0_lowered;
	s3 =	sadd.s32 s3, s5;
	[dreg:$0x0] =	wrdreg $0x0  }
0xa8: {  	s5 =	sshll.u32 s28, $0x1;
	[dreg:$0x2] =	wrdreg s3  }
0xa9: {  	[dreg:$0x3] =	wrdreg s5  }
0xaa: {  	[dreg:$0x4] =	wrdreg $0xC0  }
0xab: {  	_ =	task [dreg:s7], $0x5FFFF  }
0xac: {  	[dreg:$0x1] =	wrdreg $0xFFFFFFFF  }
0xad: {  	[dreg:$0x0] =	wrdreg $0x60  }
0xae: {  	[dreg:$0x2] =	wrdreg s24  }
0xaf: {  	[dreg:$0x3] =	wrdreg s2  }
0xb0: {  	[dreg:$0x4] =	wrdreg $0x87800  }
0xb1: {  	[dreg:$0x5] =	wrdreg $0x9  }
0xb2: {  	_ =	task.clear_ibuf [dreg:s7], $0x6FFFF;
	_ =	strace $0x90000049  }
0xb3: {  	s29 =	simm.s32 $0x9;
	_ =	strace $0x8000004B  }
0xb4: {  	_ =	swait.ge [sflag:s29], $0x1  }
0xb5: {  	[sflag:s29] =	ssyncadd.s32 $0xFFFFFFFF  }
0xb6: {  	_ =	strace $0x9000004B  }
0xb7: {  	_ =	sfence  }
0xb8: {  	s30 =	sld [smem:$0x0];
	_ =	sdelay $0x2  }
0xb9: {  	s31 =	sshll.u32 s1, $0xD;
	s1 =	sshrl.u32 s1, $0x2  }
0xba: {  	s3 =	sand.u32 $0x4000, s31;
	s1 =	sadd.s32 s1, s30  }
0xbb: {  	s0 =	sor.u32 s3, s0;
	s1 =	sshll.u32 s1, $0x11  }
0xbc: {  	s0 =	sor.u32 s1, s0  }
0xbd: {  	s0 =	sadd.s32 $0x8F2B, s0  }
0xbe: {  	[sflag:s0] =	ssyncadd.remote.s32 $0x1  }
0xbf: {  	_ =	sfence.sel $0xFFFF  }
0xc0: {  	[dreg:$0x0] =	wrdreg $0xFFFFFFFF;
	(pc) =	sbr.abs _section_cstart, $3  }
0xc1: {  	[dreg:$0x1] =	wrdreg $0xFFFFFFFF  }
0xc2: {  	_ =	task.clear_ibuf [dreg:s7], $0x2FFFF;
	_ =	strace $0x9FFFFFFF  }
0xc3: {  	(tm) =	ssettm $0x7FFFFFFF  }
tec
execute0_lowered:
.L_overlay_start_1:
0x0: {  	(tag) =	ssettag $0x1  }
0x1: {  	s5 =	rddreg [dreg:$0x0]  }
0x2: {  	s7 =	rddreg [dreg:$0x1]  }
0x3: {  	s2 =	rddreg [dreg:$0x2]  }
0x4: {  	s0 =	rddreg [dreg:$0x3]  }
0x5: {  	s4 =	srdreg.scid;
	s1 =	stileid.u32  }
0x6: {  	s3 =	simm.s32 $0x0;
	s13 =	simm.s32 $0x80;
	s14 =	simm.s32 $0x5000  }
0x7: {  	s15 =	simm.s32 $0x1;
	s16 =	simm.s32 $0x5800;
	s17 =	simm.s32 $0x2  }
0x8: {  	s18 =	simm.s32 $0x3;
	s19 =	simm.s32 $0x100;
	s20 =	simm.s32 $0x2880  }
0x9: {  	s21 =	simm.s32 $0x4;
	s22 =	simm.s32 $0x0;
	s4 =	sand.u32 $0x1, s4  }
0xa: {  	s6 =	smul.u32 $0x2780, s1;
	[smem:$0x7FF] =	sst s3;
	s8 =	sshll.u32 s4, $0x4  }
0xb: {  	s9 =	smul.u32 $0x27800, s4;
	_ =	strace $0x8000004A;
	s8 =	sor.u32 s1, s8  }
0xc: {  	s10 =	ssub.s32 $0x2, s4;
	s4 =	sadd.s32 $0x1600, s5;
	s8 =	smul.u32 $0x500, s8  }
.Ltmp0:
0xd: {  	s11 =	sshrl.u32 s10, $0x1;
	s9 =	sadd.s32 s6, s9;
	(pc) =	sbr.rel .LBB2_1-.Ltmp0, $4  }
0xe: {  	s10 =	ssub.s32 s10, s11;
	s11 =	simm.s32 $0x5;
	s9 =	sshrl.u32 s9, $0x3  }
0xf: {  	s12 =	sadd.s32 s8, s5;
	s9 =	sadd.s32 s9, s5;
	s5 =	sadd.s32 s6, s2  }
0x10: {  	s7 =	sadd.s32 s7, s8;
	s6 =	sadd.s32 $0x15400, s12;
	s8 =	sadd.s32 $0x6600, s9  }
0x11: {  	v0 =	vimm.f32 $0.0e+00;
	s9 =	smax.u32 s10, $0x1;
	s10 =	simm.s32 $0x6000;
	s12 =	simm.s32 $0x2800  }
.LBB2_6:
0x12: {  	[spmem:s2] =	stream.indirect.scatter.add.f32 [tilespmem:s16], [sflag:$0x4], $0x10, s25, s13, $0xb8;
	[tilespmem:$0xAF00] =	vst v63  }
0x13: {  	_ =	swait.ge [sflag:s21], $0x800  }
0x14: {  	s23 =	sshll.u32 s1, $0x6;
	s22 =	sadd.s32 $0x1, s22;
	[sflag:s21] =	ssyncset.done $0x0  }
0x15: {  	s24 =	sshrl.u32 s5, $0x3;
	p0 =	sne.s32 s22, s9;
	[sflag:s21] =	ssyncadd.s32 $0xFFFFF800  }
.Ltmp1:
0x16: {  	s23 =	sor.u32 $0x1C05, s23;
	[bflag:$0x0] =	sbarrier.arrive $0xFFFF;
	(pc) =	sbr.rel @!p0 .LBB2_7-.Ltmp1, $4  }
0x17: {  	[hbm:s8], [sflag:s23] =	dma.local [spmem:s24], $0x4F0  }
0x18: {  	_ =	swait.ge [sflag:s11], $0x4F0  }
0x19: {  	[sflag:s11] =	ssyncset.done $0x0  }
0x1a: {  	[sflag:s11] =	ssyncadd.s32 $0xFFFFFB10  }
.LBB2_1:
0x1b: {  	s23 =	simm.s32 $0x40;
	s24 =	simm.s32 $0x0  }
.LBB2_2:
0x1c: {  	p0 =	sne.s32 s23, $0x9DC0;
	[tilespmem:s24+$0x6000] =	vst v0;
	s24 =	smov.u32 s23;
	s23 =	sadd.s32 $0x40, s23  }
.Ltmp2:
0x1d: {  	(pc) =	sbr.rel @p0 .LBB2_2-.Ltmp2, $2  }
0x1e: {  	_ =	sdelay $0x2  }
0x1f: {  	s24 =	sshra.s32 s24, $0x2  }
0x20: {  	[tilespmem:s24+$0x6000] =	vst v0  }
0x21: {  	[spmem:s5] =	stream.linear.scatter [tilespmem:s10], [sflag:$0x5], $0x2780, $0x38;
	[tilespmem:$0xAF00] =	vst v63  }
0x22: {  	_ =	swait.ge [sflag:s11], $0x2780  }
0x23: {  	[sflag:s11] =	ssyncset.done $0x0  }
0x24: {  	[sflag:s11] =	ssyncadd.s32 $0xFFFFD880  }
0x25: {  	[tilespmem:s3], [sflag:$0x5] =	stream.linear.gather [hbm4b:s6+s3], $0x2800, $0x38;
	[tilespmem:$0xAF00] =	vst v63  }
0x26: {  	_ =	swait.ge [sflag:s11], $0x2800  }
0x27: {  	[sflag:s11] =	ssyncset.done $0x0  }
0x28: {  	[sflag:s11] =	ssyncadd.s32 $0xFFFFD800  }
0x29: {  	[tilespmem:s12], [sflag:$0x5] =	stream.linear.gather [hbm4b:s7+s3], $0x2800, $0x38;
	[tilespmem:$0xAF00] =	vst v63  }
0x2a: {  	_ =	swait.ge [sflag:s11], $0x2800  }
0x2b: {  	[sflag:s11] =	ssyncset.done $0x0  }
0x2c: {  	[sflag:s11] =	ssyncadd.s32 $0xFFFFD800  }
0x2d: {  	[bflag:$0x0] =	sbarrier.arrive $0xFFFF  }
0x2e: {  	[tilespmem:s14], [sflag:$0x1] =	stream.indirect.gather [hbm4b:s4+s13], $0x10, s3, s13, $0xb8;
	[tilespmem:$0xAF00] =	vst v63  }
0x2f: {  	_ =	swait.ge [sflag:s15], $0x800  }
0x30: {  	[sflag:s15] =	ssyncset.done $0x0  }
0x31: {  	[sflag:s15] =	ssyncadd.s32 $0xFFFFF800  }
0x32: {  	[tilespmem:s16], [sflag:$0x2] =	stream.indirect.gather [hbm4b:s4+s13], $0x10, s13, s13, $0xb8;
	[tilespmem:$0xAF00] =	vst v63  }
0x33: {  	_ = 	snop  }
0x34: {  	[spmem:s2] =	stream.indirect.scatter.add.f32 [tilespmem:s14], [sflag:$0x3], $0x10, s12, s13, $0xb8;
	[tilespmem:$0xAF00] =	vst v63  }
0x35: {  	_ =	swait.ge [sflag:s17], $0x800  }
0x36: {  	[sflag:s17] =	ssyncset.done $0x0  }
0x37: {  	[sflag:s17] =	ssyncadd.s32 $0xFFFFF800  }
0x38: {  	_ =	swait.ge [sflag:s18], $0x800  }
0x39: {  	[sflag:s18] =	ssyncset.done $0x0  }
0x3a: {  	[sflag:s18] =	ssyncadd.s32 $0xFFFFF800  }
0x3b: {  	[tilespmem:s14], [sflag:$0x1] =	stream.indirect.gather [hbm4b:s4+s13], $0x10, s19, s13, $0xb8;
	[tilespmem:$0xAF00] =	vst v63  }
0x3c: {  	s23 =	simm.s32 $0xFFFF6800  }
0x3d: {  	[spmem:s2] =	stream.indirect.scatter.add.f32 [tilespmem:s16], [sflag:$0x4], $0x10, s20, s13, $0xb8;
	[tilespmem:$0xAF00] =	vst v63  }
.LBB2_4:
0x3e: {  	_ =	swait.ge [sflag:s15], $0x800  }
0x3f: {  	[sflag:s15] =	ssyncset.done $0x0  }
0x40: {  	[sflag:s15] =	ssyncadd.s32 $0xFFFFF800  }
0x41: {  	_ =	swait.ge [sflag:s21], $0x800  }
0x42: {  	s24 =	sshra.s32 s23, $0x2;
	[sflag:s21] =	ssyncset.done $0x0  }
0x43: {  	s25 =	sadd.s32 $0x2780, s24;
	[sflag:s21] =	ssyncadd.s32 $0xFFFFF800  }
0x44: {  	[tilespmem:s16], [sflag:$0x2] =	stream.indirect.gather [hbm4b:s4+s13], $0x10, s25, s13, $0xb8;
	[tilespmem:$0xAF00] =	vst v63  }
0x45: {  	s31 =	sadd.s32 $0x4F00, s24  }
0x46: {  	[spmem:s2] =	stream.indirect.scatter.add.f32 [tilespmem:s14], [sflag:$0x3], $0x10, s31, s13, $0xb8;
	[tilespmem:$0xAF00] =	vst v63  }
0x47: {  	p0 =	seq.s32 s23, $0x0;
	_ =	swait.ge [sflag:s17], $0x800  }
.Ltmp3:
0x48: {  	[sflag:s17] =	ssyncset.done $0x0;
	(pc) =	sbr.rel @p0 .LBB2_6-.Ltmp3, $4  }
0x49: {  	[sflag:s17] =	ssyncadd.s32 $0xFFFFF800  }
0x4a: {  	_ =	swait.ge [sflag:s18], $0x800  }
0x4b: {  	[sflag:s18] =	ssyncset.done $0x0  }
0x4c: {  	s25 =	sadd.s32 $0x4F80, s24;
	[sflag:s18] =	ssyncadd.s32 $0xFFFFF800  }
.Ltmp4:
0x4d: {  	(pc) =	sbr.rel .LBB2_4-.Ltmp4, $4  }
0x4e: {  	s24 =	sadd.s32 $0x2800, s24  }
0x4f: {  	[tilespmem:s14], [sflag:$0x1] =	stream.indirect.gather [hbm4b:s4+s13], $0x10, s24, s13, $0xb8;
	[tilespmem:$0xAF00] =	vst v63  }
0x50: {  	s23 =	sadd.s32 $0x400, s23  }
0x51: {  	[spmem:s2] =	stream.indirect.scatter.add.f32 [tilespmem:s16], [sflag:$0x4], $0x10, s25, s13, $0xb8;
	[tilespmem:$0xAF00] =	vst v63  }
.LBB2_7:
0x52: {  	_ =	sfence.sel $0x180000  }
0x53: {  	[bflag:$0x0] =	sbarrier.arrive $0xFFFF  }
0x54: {  	p0 =	sne.s32 s1, $0x0;
	_ =	strace $0x9000004A  }
0x55: {  	s0 =	sadd.s32 @!p0 $0x100000, s0;
	[bflag:$0x2] =	sbarrier.arrive $0xFFFF  }
0x56: {  	[sflag:s0] =	ssyncadd.tile.s32 @!p0 $0x1;
	_ =	shalt  }
.Lfunc_end2:
_tile_overlayer_lowered:
.L_overlay_start_2:
0x57: {  	(tag) =	ssettag $0x2  }
0x58: {  	s0 =	rddreg [dreg:$0x0];
	s2 =	stileid.u32  }
0x59: {  	s1 =	rddreg [dreg:$0x1];
	p0 =	sne.s32 s2, $0x0  }
0x5a: {  	s3 =	rddreg [dreg:$0x2];
	[bflag:$0x3] =	sbarrier.arrive $0xFFFF;
	s2 =	simm.s32 @!p0 $0x1C05  }
0x5b: {  	[timem:s3], [sflag:s2] =	dma.local @!p0 [hbm:s0], s1  }
0x5c: {  	s0 =	simm.s32 @!p0 $0x5  }
0x5d: {  	_ =	swait.ge @!p0 [sflag:s0], s1  }
0x5e: {  	s1 =	ssub.s32 @!p0 $0x0, s1;
	[sflag:s0] =	ssyncset.done @!p0 $0x0  }
0x5f: {  	[sflag:s0] =	ssyncadd.s32 @!p0 s1  }
0x60: {  	[bflag:$0x3] =	sbarrier.arrive $0xFFFF  }
0x61: {  	_ =	shalt  }

// kernel: kernel.14.cloned.1.call-start
scs
__scs_entry_jumppad:
0x0: {  	(pc) =	sbr.rel $0x88, $3  }
0x1: {  	(tag) =	ssettag $0x0;
	lr =	simm.s32 $0x1  }
0x2: {  	[smem:$0x3F9B] =	sst lr;
	_ =	strace $0xD0000000  }
0x3: {  	_ = 	snop  }
0x4: {  	_ = 	snop  }
0x5: {  	_ = 	snop  }
0x6: {  	_ = 	snop  }
0x7: {  	_ = 	snop  }
__scs_overlays_trampoline_lowered:
0x8: {  	[smem:$0x3FAA] =	sst s0  }
0x9: {  	[smem:$0x3FAB] =	sst s1  }
0xa: {  	[smem:$0x3FAC] =	sst s2  }
0xb: {  	[smem:$0x3FAD] =	sst s3  }
0xc: {  	[smem:$0x3FAE] =	sst s4  }
0xd: {  	[smem:$0x3FAF] =	sst s5  }
0xe: {  	[smem:$0x3FB0] =	sst s6  }
0xf: {  	[smem:$0x3FB1] =	sst s7  }
0x10: {  	[smem:$0x3FB2] =	sst s8  }
0x11: {  	[smem:$0x3FB3] =	sst s9;
	s0 =	simm.s32 @!p0 $0x0  }
0x12: {  	s1 =	sld [smem:$0x3F99];
	s0 =	simm.s32 @p0 $0x1  }
0x13: {  	[smem:$0x3FB4] =	sst s0;
	s0 =	simm.s32 @!p1 $0x0  }
0x14: {  	s2 =	sld [smem:$0x3F98];
	s0 =	simm.s32 @p1 $0x1  }
0x15: {  	[smem:$0x3FB5] =	sst s0;
	s0 =	simm.s32 @!p2 $0x0  }
0x16: {  	s3 =	sld [smem:$0x3FDB];
	s0 =	simm.s32 @p2 $0x1  }
0x17: {  	s4 =	simm.s32 $0x1BF5;
	[smem:$0x3FB7] =	sst s0  }
0x18: {  	s0 =	sld [smem:$0x3F9A];
	_ =	swait.ge [sflag:s4], $0x0  }
0x19: {  	s7 =	sld [smem:$0x3F9B]  }
0x1a: {  	s8 =	sadd.s32 $0xFFFFE003, lr  }
0x1b: {  	s9 =	sadd.s32 $0xFFFFFEF7, lr;
	s5 =	simm.s32 $0xFFFFFFFF;
	p2 =	slt.u32 s8, $0xFFFFF086  }
0x1c: {  	p1 =	slt.u32 s9, $0xF7A;
	s5 =	simm.s32 @!p2 $0x0  }
0x1d: {  	s5 =	simm.s32 @p1 $0x1;
	p0 =	seq.s32 s7, s2  }
0x1e: {  	s7 =	smul.u32 @!p0 $0xF7A, s2;
	p2 =	seq.s32 @!p0 s5, $0x0  }
0x1f: {  	s9 =	smul.u32 $0xF7A, s1;
	s8 =	simm.s32 @!p0 $0x1BF5;
	p2 =	por !p2, p0  }
0x20: {  	[sflag:s8] =	ssyncset.s32 @!p0 $0xFFFFF086;
	s6 =	sadd.s32 @!p0 s3, s7;
	s7 =	simm.s32 @!p0 $0x108  }
0x21: {  	s3 =	sadd.s32 s3, s9;
	s6 =	sadd.s32 @!p0 $0x88, s6;
	s7 =	simm.s32 @p2 $0x1082  }
0x22: {  	[simem:s7], [sflag:s8] =	dma.local @!p0 [hbm:s6], $0xF7A  }
0x23: {  	s9 =	sor.u32 $0xD0000000, s2;
	s6 =	simm.s32 $0x108;
	_ =	swait.ge @!p0 [sflag:s8], $0x0  }
0x24: {  	s3 =	sadd.s32 $0x88, s3;
	s6 =	simm.s32 @!p1 $0x1082;
	[sflag:s4] =	ssyncset.s32 $0xFFFFF086  }
0x25: {  	[simem:s6], [sflag:s4] =	dma.local [hbm:s3], $0xF7A  }
0x26: {  	[smem:$0x3F9B] =	sst s1;
	(tag) =	ssettag s2;
	_ =	strace s9  }
0x27: {  	s1 =	sld [smem:$0x3FAB]  }
0x28: {  	s2 =	sld [smem:$0x3FAC]  }
0x29: {  	s4 =	sld [smem:$0x3FAE]  }
0x2a: {  	p0 =	seq.s32 s5, $0x0;
	s5 =	sld [smem:$0x3FAF]  }
0x2b: {  	s6 =	sld [smem:$0x3FB0]  }
0x2c: {  	s7 =	sld [smem:$0x3FB1]  }
0x2d: {  	s3 =	simm.s32 $0x108;
	s8 =	sld [smem:$0x3FB2]  }
0x2e: {  	s3 =	simm.s32 @!p0 $0x1082;
	s9 =	sld [smem:$0x3FB3]  }
0x2f: {  	lr =	sadd.s32 s0, s3;
	s0 =	sld [smem:$0x3FAA]  }
0x30: {  	s3 =	sld [smem:$0x3FAD]  }
0x31: {  	[smem:$0x3FB6] =	sst s10  }
0x32: {  	s10 =	sld [smem:$0x3FB4];
	_ =	sdelay $0x3  }
0x33: {  	p0 =	seq.s32 s10, $0x1;
	s10 =	sld [smem:$0x3FB6];
	_ =	sdelay $0x3  }
0x34: {  	[smem:$0x3FB6] =	sst s10  }
0x35: {  	s10 =	sld [smem:$0x3FB5];
	_ =	sdelay $0x3  }
0x36: {  	p1 =	seq.s32 s10, $0x1;
	s10 =	sld [smem:$0x3FB6];
	_ =	sdelay $0x3  }
0x37: {  	[smem:$0x3FB6] =	sst s10  }
0x38: {  	s10 =	sld [smem:$0x3FB7]  }
0x39: {  	_ = 	snop;
	(pc) =	sbr.ind lr, $3  }
0x3a: {  	_ = 	snop  }
0x3b: {  	_ = 	snop  }
0x3c: {  	p2 =	seq.s32 s10, $0x1;
	s10 =	sld [smem:$0x3FB6]  }
0x3d: {  	_ =	shalt  }
0x3e: {  	_ =	shalt  }
0x3f: {  	_ =	shalt  }
0x40: {  	_ =	shalt  }
0x41: {  	_ =	shalt  }
0x42: {  	_ =	shalt  }
0x43: {  	_ =	shalt  }
0x44: {  	_ =	shalt  }
0x45: {  	_ =	shalt  }
0x46: {  	_ =	shalt  }
0x47: {  	_ =	shalt  }
0x48: {  	_ =	shalt  }
0x49: {  	_ =	shalt  }
0x4a: {  	_ =	shalt  }
0x4b: {  	_ =	shalt  }
0x4c: {  	_ =	shalt  }
0x4d: {  	_ =	shalt  }
0x4e: {  	_ =	shalt  }
0x4f: {  	_ =	shalt  }
0x50: {  	_ =	shalt  }
0x51: {  	_ =	shalt  }
0x52: {  	_ =	shalt  }
0x53: {  	_ =	shalt  }
0x54: {  	_ =	shalt  }
0x55: {  	_ =	shalt  }
0x56: {  	_ =	shalt  }
0x57: {  	_ =	shalt  }
0x58: {  	_ =	shalt  }
0x59: {  	_ =	shalt  }
0x5a: {  	_ =	shalt  }
0x5b: {  	_ =	shalt  }
0x5c: {  	_ =	shalt  }
0x5d: {  	_ =	shalt  }
0x5e: {  	_ =	shalt  }
0x5f: {  	_ =	shalt  }
0x60: {  	_ =	shalt  }
0x61: {  	_ =	shalt  }
0x62: {  	_ =	shalt  }
0x63: {  	_ =	shalt  }
0x64: {  	_ =	shalt  }
0x65: {  	_ =	shalt  }
0x66: {  	_ =	shalt  }
0x67: {  	_ =	shalt  }
0x68: {  	_ =	shalt  }
0x69: {  	_ =	shalt  }
0x6a: {  	_ =	shalt  }
0x6b: {  	_ =	shalt  }
0x6c: {  	_ =	shalt  }
0x6d: {  	_ =	shalt  }
0x6e: {  	_ =	shalt  }
0x6f: {  	_ =	shalt  }
0x70: {  	_ =	shalt  }
0x71: {  	_ =	shalt  }
0x72: {  	_ =	shalt  }
0x73: {  	_ =	shalt  }
0x74: {  	_ =	shalt  }
0x75: {  	_ =	shalt  }
0x76: {  	_ =	shalt  }
0x77: {  	_ =	shalt  }
0x78: {  	_ =	shalt  }
0x79: {  	_ =	shalt  }
0x7a: {  	_ =	shalt  }
0x7b: {  	_ =	shalt  }
0x7c: {  	_ =	shalt  }
0x7d: {  	_ =	shalt  }
0x7e: {  	_ =	shalt  }
0x7f: {  	_ =	shalt  }
0x80: {  	_ =	shalt  }
0x81: {  	_ =	shalt  }
0x82: {  	_ =	shalt  }
0x83: {  	_ =	shalt  }
0x84: {  	_ =	shalt  }
0x85: {  	_ =	shalt  }
0x86: {  	_ =	shalt  }
0x87: {  	_ =	shalt  }
.Lfunc_end0:
.L_simem_size_0:
called_computation.2_lowered:
.L_overlay_start_0:
0x88: {  	s2 =	sld [smem:$0x3FD9]  }
0x89: {  	s3 =	sld [smem:$0x3FFE];
	_ =	sdelay $0x1  }
0x8a: {  	s1 =	srdreg.scid  }
0x8b: {  	s0 =	sand.u32 $0x1, s1  }
0x8c: {  	s17 =	sshll.u32 s0, $0xA;
	s2 =	sadd.s32 s3, s2  }
0x8d: {  	s2 =	sadd.s32 s2, s17  }
0x8e: {  	[smem:$0x3FC2] =	sst s2  }
0x8f: {  	_ = 	snop  }
0x90: {  	s2 =	sld [smem:$0x3FD0];
	(tm) =	ssettm $0x1  }
0x91: {  	s18 =	sld [smem:$0x3FFB];
	_ =	sdelay $0x3  }
0x92: {  	_ =	strace s18  }
0x93: {  	s3 =	sld [smem:$0x3FFC];
	_ =	sdelay $0x3  }
0x94: {  	_ =	strace s3  }
0x95: {  	s3 =	sld [smem:$0x3FFD];
	_ =	sdelay $0x3  }
0x96: {  	_ =	strace s3  }
0x97: {  	_ =	strace $0x8FFFFFFF  }
0x98: {  	s19 =	sld [smem:$0x3FDB];
	_ =	sdelay $0x1  }
0x99: {  	s4 =	simm.s32 $_scs_section_size  }
0x9a: {  	s5 =	simm.s32 $_size__tile_overlayer_lowered;
	s6 =	simm.s32 $_tile_overlayer_lowered  }
0x9b: {  	s22 =	simm.s32 $0x1BFF;
	s21 =	sshll.u32 s6, $0x1;
	s3 =	sadd.s32 s4, s19  }
0x9c: {  	s7 =	simm.s32 $0x0;
	s20 =	sshll.u32 s5, $0x1;
	s5 =	sadd.s32 s21, s3  }
0x9d: {  	[timem:s7], [sflag:s22] =	dma.local [hbm:s5], s20  }
0x9e: {  	_ =	swait.ge [sflag:s22], s20  }
0x9f: {  	s4 =	ssub.s32 $0x0, s20;
	[sflag:s22] =	ssyncset.done $0x0  }
0xa0: {  	[sflag:s22] =	ssyncadd.s32 s4;
	_ =	sdelay $0x1  }
0xa1: {  	s23 =	simm.s32 $0x1B8B  }
0xa2: {  	_ =	swait.ge [sflag:s23], $0x1  }
0xa3: {  	[sflag:s23] =	ssyncset.done $0x0  }
0xa4: {  	s25 =	simm.s32 $0x1B8E;
	s24 =	sld [smem:$0x3FFE];
	[sflag:s23] =	ssyncadd.s32 $0xFFFFFFFF  }
0xa5: {  	s26 =	simm.s32 $execute0_lowered;
	[smem:$0x3FD2] =	sst s25  }
0xa6: {  	s5 =	sshll.u32 s26, $0x1;
	_ =	strace $0x8000004C;
	[dreg:$0x1] =	wrdreg $0xFFFFFFFF  }
0xa7: {  	s28 =	simm.s32 $_size_execute0_lowered;
	s3 =	sadd.s32 s3, s5;
	[dreg:$0x0] =	wrdreg $0x0  }
0xa8: {  	s5 =	sshll.u32 s28, $0x1;
	[dreg:$0x2] =	wrdreg s3  }
0xa9: {  	[dreg:$0x3] =	wrdreg s5  }
0xaa: {  	[dreg:$0x4] =	wrdreg $0xC0  }
0xab: {  	_ =	task [dreg:s7], $0x5FFFF  }
0xac: {  	[dreg:$0x1] =	wrdreg $0xFFFFFFFF  }
0xad: {  	[dreg:$0x0] =	wrdreg $0x60  }
0xae: {  	[dreg:$0x2] =	wrdreg s24  }
0xaf: {  	[dreg:$0x3] =	wrdreg s2  }
0xb0: {  	[dreg:$0x4] =	wrdreg $0x87800  }
0xb1: {  	[dreg:$0x5] =	wrdreg $0x9  }
0xb2: {  	_ =	task.clear_ibuf [dreg:s7], $0x6FFFF;
	_ =	strace $0x9000004C  }
0xb3: {  	s29 =	simm.s32 $0x9;
	_ =	strace $0x8000004E  }
0xb4: {  	_ =	swait.ge [sflag:s29], $0x1  }
0xb5: {  	[sflag:s29] =	ssyncadd.s32 $0xFFFFFFFF  }
0xb6: {  	_ =	strace $0x9000004E  }
0xb7: {  	_ =	sfence  }
0xb8: {  	s30 =	sld [smem:$0x0];
	_ =	sdelay $0x2  }
0xb9: {  	s31 =	sshll.u32 s1, $0xD;
	s1 =	sshrl.u32 s1, $0x2  }
0xba: {  	s3 =	sand.u32 $0x4000, s31;
	s1 =	sadd.s32 s1, s30  }
0xbb: {  	s0 =	sor.u32 s3, s0;
	s1 =	sshll.u32 s1, $0x11  }
0xbc: {  	s0 =	sor.u32 s1, s0  }
0xbd: {  	s0 =	sadd.s32 $0x8F2B, s0  }
0xbe: {  	[sflag:s0] =	ssyncadd.remote.s32 $0x1  }
0xbf: {  	_ =	sfence.sel $0xFFFF  }
0xc0: {  	[dreg:$0x0] =	wrdreg $0xFFFFFFFF;
	(pc) =	sbr.abs _section_cstart, $3  }
0xc1: {  	[dreg:$0x1] =	wrdreg $0xFFFFFFFF  }
0xc2: {  	_ =	task.clear_ibuf [dreg:s7], $0x2FFFF;
	_ =	strace $0x9FFFFFFF  }
0xc3: {  	(tm) =	ssettm $0x7FFFFFFF  }
tec
execute0_lowered:
.L_overlay_start_1:
0x0: {  	(tag) =	ssettag $0x1  }
0x1: {  	s5 =	rddreg [dreg:$0x0]  }
0x2: {  	s7 =	rddreg [dreg:$0x1]  }
0x3: {  	s2 =	rddreg [dreg:$0x2]  }
0x4: {  	s0 =	rddreg [dreg:$0x3]  }
0x5: {  	s4 =	srdreg.scid;
	s1 =	stileid.u32  }
0x6: {  	s3 =	simm.s32 $0x0;
	s13 =	simm.s32 $0x80;
	s14 =	simm.s32 $0x5000  }
0x7: {  	s15 =	simm.s32 $0x1;
	s16 =	simm.s32 $0x5800;
	s17 =	simm.s32 $0x2  }
0x8: {  	s18 =	simm.s32 $0x3;
	s19 =	simm.s32 $0x100;
	s20 =	simm.s32 $0x2880  }
0x9: {  	s21 =	simm.s32 $0x4;
	s22 =	simm.s32 $0x0;
	s4 =	sand.u32 $0x1, s4  }
0xa: {  	s6 =	smul.u32 $0x2780, s1;
	[smem:$0x7FF] =	sst s3;
	s8 =	sshll.u32 s4, $0x4  }
0xb: {  	s9 =	smul.u32 $0x27800, s4;
	_ =	strace $0x8000004D;
	s8 =	sor.u32 s1, s8  }
0xc: {  	s10 =	ssub.s32 $0x2, s4;
	s4 =	sadd.s32 $0x1600, s5;
	s8 =	smul.u32 $0x500, s8  }
.Ltmp0:
0xd: {  	s11 =	sshrl.u32 s10, $0x1;
	s9 =	sadd.s32 s6, s9;
	(pc) =	sbr.rel .LBB2_1-.Ltmp0, $4  }
0xe: {  	s10 =	ssub.s32 s10, s11;
	s11 =	simm.s32 $0x5;
	s9 =	sshrl.u32 s9, $0x3  }
0xf: {  	s12 =	sadd.s32 s8, s5;
	s9 =	sadd.s32 s9, s5;
	s5 =	sadd.s32 s6, s2  }
0x10: {  	s7 =	sadd.s32 s7, s8;
	s6 =	sadd.s32 $0x15400, s12;
	s8 =	sadd.s32 $0x6600, s9  }
0x11: {  	v0 =	vimm.f32 $0.0e+00;
	s9 =	smax.u32 s10, $0x1;
	s10 =	simm.s32 $0x6000;
	s12 =	simm.s32 $0x2800  }
.LBB2_6:
0x12: {  	[spmem:s2] =	stream.indirect.scatter.add.f32 [tilespmem:s16], [sflag:$0x4], $0x10, s25, s13, $0xb8;
	[tilespmem:$0xAF00] =	vst v63  }
0x13: {  	_ =	swait.ge [sflag:s21], $0x800  }
0x14: {  	s23 =	sshll.u32 s1, $0x6;
	s22 =	sadd.s32 $0x1, s22;
	[sflag:s21] =	ssyncset.done $0x0  }
0x15: {  	s24 =	sshrl.u32 s5, $0x3;
	p0 =	sne.s32 s22, s9;
	[sflag:s21] =	ssyncadd.s32 $0xFFFFF800  }
.Ltmp1:
0x16: {  	s23 =	sor.u32 $0x1C05, s23;
	[bflag:$0x0] =	sbarrier.arrive $0xFFFF;
	(pc) =	sbr.rel @!p0 .LBB2_7-.Ltmp1, $4  }
0x17: {  	[hbm:s8], [sflag:s23] =	dma.local [spmem:s24], $0x4F0  }
0x18: {  	_ =	swait.ge [sflag:s11], $0x4F0  }
0x19: {  	[sflag:s11] =	ssyncset.done $0x0  }
0x1a: {  	[sflag:s11] =	ssyncadd.s32 $0xFFFFFB10  }
.LBB2_1:
0x1b: {  	s23 =	simm.s32 $0x40;
	s24 =	simm.s32 $0x0  }
.LBB2_2:
0x1c: {  	p0 =	sne.s32 s23, $0x9DC0;
	[tilespmem:s24+$0x6000] =	vst v0;
	s24 =	smov.u32 s23;
	s23 =	sadd.s32 $0x40, s23  }
.Ltmp2:
0x1d: {  	(pc) =	sbr.rel @p0 .LBB2_2-.Ltmp2, $2  }
0x1e: {  	_ =	sdelay $0x2  }
0x1f: {  	s24 =	sshra.s32 s24, $0x2  }
0x20: {  	[tilespmem:s24+$0x6000] =	vst v0  }
0x21: {  	[spmem:s5] =	stream.linear.scatter [tilespmem:s10], [sflag:$0x5], $0x2780, $0x38;
	[tilespmem:$0xAF00] =	vst v63  }
0x22: {  	_ =	swait.ge [sflag:s11], $0x2780  }
0x23: {  	[sflag:s11] =	ssyncset.done $0x0  }
0x24: {  	[sflag:s11] =	ssyncadd.s32 $0xFFFFD880  }
0x25: {  	[tilespmem:s3], [sflag:$0x5] =	stream.linear.gather [hbm4b:s6+s3], $0x2800, $0x38;
	[tilespmem:$0xAF00] =	vst v63  }
0x26: {  	_ =	swait.ge [sflag:s11], $0x2800  }
0x27: {  	[sflag:s11] =	ssyncset.done $0x0  }
0x28: {  	[sflag:s11] =	ssyncadd.s32 $0xFFFFD800  }
0x29: {  	[tilespmem:s12], [sflag:$0x5] =	stream.linear.gather [hbm4b:s7+s3], $0x2800, $0x38;
	[tilespmem:$0xAF00] =	vst v63  }
0x2a: {  	_ =	swait.ge [sflag:s11], $0x2800  }
0x2b: {  	[sflag:s11] =	ssyncset.done $0x0  }
0x2c: {  	[sflag:s11] =	ssyncadd.s32 $0xFFFFD800  }
0x2d: {  	[bflag:$0x0] =	sbarrier.arrive $0xFFFF  }
0x2e: {  	[tilespmem:s14], [sflag:$0x1] =	stream.indirect.gather [hbm4b:s4+s13], $0x10, s3, s13, $0xb8;
	[tilespmem:$0xAF00] =	vst v63  }
0x2f: {  	_ =	swait.ge [sflag:s15], $0x800  }
0x30: {  	[sflag:s15] =	ssyncset.done $0x0  }
0x31: {  	[sflag:s15] =	ssyncadd.s32 $0xFFFFF800  }
0x32: {  	[tilespmem:s16], [sflag:$0x2] =	stream.indirect.gather [hbm4b:s4+s13], $0x10, s13, s13, $0xb8;
	[tilespmem:$0xAF00] =	vst v63  }
0x33: {  	_ = 	snop  }
0x34: {  	[spmem:s2] =	stream.indirect.scatter.add.f32 [tilespmem:s14], [sflag:$0x3], $0x10, s12, s13, $0xb8;
	[tilespmem:$0xAF00] =	vst v63  }
0x35: {  	_ =	swait.ge [sflag:s17], $0x800  }
0x36: {  	[sflag:s17] =	ssyncset.done $0x0  }
0x37: {  	[sflag:s17] =	ssyncadd.s32 $0xFFFFF800  }
0x38: {  	_ =	swait.ge [sflag:s18], $0x800  }
0x39: {  	[sflag:s18] =	ssyncset.done $0x0  }
0x3a: {  	[sflag:s18] =	ssyncadd.s32 $0xFFFFF800  }
0x3b: {  	[tilespmem:s14], [sflag:$0x1] =	stream.indirect.gather [hbm4b:s4+s13], $0x10, s19, s13, $0xb8;
	[tilespmem:$0xAF00] =	vst v63  }
0x3c: {  	s23 =	simm.s32 $0xFFFF6800  }
0x3d: {  	[spmem:s2] =	stream.indirect.scatter.add.f32 [tilespmem:s16], [sflag:$0x4], $0x10, s20, s13, $0xb8;
	[tilespmem:$0xAF00] =	vst v63  }
.LBB2_4:
0x3e: {  	_ =	swait.ge [sflag:s15], $0x800  }
0x3f: {  	[sflag:s15] =	ssyncset.done $0x0  }
0x40: {  	[sflag:s15] =	ssyncadd.s32 $0xFFFFF800  }
0x41: {  	_ =	swait.ge [sflag:s21], $0x800  }
0x42: {  	s24 =	sshra.s32 s23, $0x2;
	[sflag:s21] =	ssyncset.done $0x0  }
0x43: {  	s25 =	sadd.s32 $0x2780, s24;
	[sflag:s21] =	ssyncadd.s32 $0xFFFFF800  }
0x44: {  	[tilespmem:s16], [sflag:$0x2] =	stream.indirect.gather [hbm4b:s4+s13], $0x10, s25, s13, $0xb8;
	[tilespmem:$0xAF00] =	vst v63  }
0x45: {  	s31 =	sadd.s32 $0x4F00, s24  }
0x46: {  	[spmem:s2] =	stream.indirect.scatter.add.f32 [tilespmem:s14], [sflag:$0x3], $0x10, s31, s13, $0xb8;
	[tilespmem:$0xAF00] =	vst v63  }
0x47: {  	p0 =	seq.s32 s23, $0x0;
	_ =	swait.ge [sflag:s17], $0x800  }
.Ltmp3:
0x48: {  	[sflag:s17] =	ssyncset.done $0x0;
	(pc) =	sbr.rel @p0 .LBB2_6-.Ltmp3, $4  }
0x49: {  	[sflag:s17] =	ssyncadd.s32 $0xFFFFF800  }
0x4a: {  	_ =	swait.ge [sflag:s18], $0x800  }
0x4b: {  	[sflag:s18] =	ssyncset.done $0x0  }
0x4c: {  	s25 =	sadd.s32 $0x4F80, s24;
	[sflag:s18] =	ssyncadd.s32 $0xFFFFF800  }
.Ltmp4:
0x4d: {  	(pc) =	sbr.rel .LBB2_4-.Ltmp4, $4  }
0x4e: {  	s24 =	sadd.s32 $0x2800, s24  }
0x4f: {  	[tilespmem:s14], [sflag:$0x1] =	stream.indirect.gather [hbm4b:s4+s13], $0x10, s24, s13, $0xb8;
	[tilespmem:$0xAF00] =	vst v63  }
0x50: {  	s23 =	sadd.s32 $0x400, s23  }
0x51: {  	[spmem:s2] =	stream.indirect.scatter.add.f32 [tilespmem:s16], [sflag:$0x4], $0x10, s25, s13, $0xb8;
	[tilespmem:$0xAF00] =	vst v63  }
.LBB2_7:
0x52: {  	_ =	sfence.sel $0x180000  }
0x53: {  	[bflag:$0x0] =	sbarrier.arrive $0xFFFF  }
0x54: {  	p0 =	sne.s32 s1, $0x0;
	_ =	strace $0x9000004D  }
0x55: {  	s0 =	sadd.s32 @!p0 $0x100000, s0;
	[bflag:$0x2] =	sbarrier.arrive $0xFFFF  }
0x56: {  	[sflag:s0] =	ssyncadd.tile.s32 @!p0 $0x1;
	_ =	shalt  }
.Lfunc_end2:
_tile_overlayer_lowered:
.L_overlay_start_2:
0x57: {  	(tag) =	ssettag $0x2  }
0x58: {  	s0 =	rddreg [dreg:$0x0];
	s2 =	stileid.u32  }
0x59: {  	s1 =	rddreg [dreg:$0x1];
	p0 =	sne.s32 s2, $0x0  }
0x5a: {  	s3 =	rddreg [dreg:$0x2];
	[bflag:$0x3] =	sbarrier.arrive $0xFFFF;
	s2 =	simm.s32 @!p0 $0x1C05  }
0x5b: {  	[timem:s3], [sflag:s2] =	dma.local @!p0 [hbm:s0], s1  }
0x5c: {  	s0 =	simm.s32 @!p0 $0x5  }
0x5d: {  	_ =	swait.ge @!p0 [sflag:s0], s1  }
0x5e: {  	s1 =	ssub.s32 @!p0 $0x0, s1;
	[sflag:s0] =	ssyncset.done @!p0 $0x0  }
0x5f: {  	[sflag:s0] =	ssyncadd.s32 @!p0 s1  }
0x60: {  	[bflag:$0x3] =	sbarrier.arrive $0xFFFF  }
0x61: {  	_ =	shalt  }

// kernel: kernel.8.cloned.1.call-start
scs
__scs_entry_jumppad:
0x0: {  	(pc) =	sbr.rel $0x88, $3  }
0x1: {  	(tag) =	ssettag $0x0;
	lr =	simm.s32 $0x1  }
0x2: {  	[smem:$0x3F9B] =	sst lr;
	_ =	strace $0xD0000000  }
0x3: {  	_ = 	snop  }
0x4: {  	_ = 	snop  }
0x5: {  	_ = 	snop  }
0x6: {  	_ = 	snop  }
0x7: {  	_ = 	snop  }
__scs_overlays_trampoline_lowered:
0x8: {  	[smem:$0x3FAA] =	sst s0  }
0x9: {  	[smem:$0x3FAB] =	sst s1  }
0xa: {  	[smem:$0x3FAC] =	sst s2  }
0xb: {  	[smem:$0x3FAD] =	sst s3  }
0xc: {  	[smem:$0x3FAE] =	sst s4  }
0xd: {  	[smem:$0x3FAF] =	sst s5  }
0xe: {  	[smem:$0x3FB0] =	sst s6  }
0xf: {  	[smem:$0x3FB1] =	sst s7  }
0x10: {  	[smem:$0x3FB2] =	sst s8  }
0x11: {  	[smem:$0x3FB3] =	sst s9;
	s0 =	simm.s32 @!p0 $0x0  }
0x12: {  	s1 =	sld [smem:$0x3F99];
	s0 =	simm.s32 @p0 $0x1  }
0x13: {  	[smem:$0x3FB4] =	sst s0;
	s0 =	simm.s32 @!p1 $0x0  }
0x14: {  	s2 =	sld [smem:$0x3F98];
	s0 =	simm.s32 @p1 $0x1  }
0x15: {  	[smem:$0x3FB5] =	sst s0;
	s0 =	simm.s32 @!p2 $0x0  }
0x16: {  	s3 =	sld [smem:$0x3FDB];
	s0 =	simm.s32 @p2 $0x1  }
0x17: {  	s4 =	simm.s32 $0x1BF5;
	[smem:$0x3FB7] =	sst s0  }
0x18: {  	s0 =	sld [smem:$0x3F9A];
	_ =	swait.ge [sflag:s4], $0x0  }
0x19: {  	s7 =	sld [smem:$0x3F9B]  }
0x1a: {  	s8 =	sadd.s32 $0xFFFFE003, lr  }
0x1b: {  	s9 =	sadd.s32 $0xFFFFFEF7, lr;
	s5 =	simm.s32 $0xFFFFFFFF;
	p2 =	slt.u32 s8, $0xFFFFF086  }
0x1c: {  	p1 =	slt.u32 s9, $0xF7A;
	s5 =	simm.s32 @!p2 $0x0  }
0x1d: {  	s5 =	simm.s32 @p1 $0x1;
	p0 =	seq.s32 s7, s2  }
0x1e: {  	s7 =	smul.u32 @!p0 $0xF7A, s2;
	p2 =	seq.s32 @!p0 s5, $0x0  }
0x1f: {  	s9 =	smul.u32 $0xF7A, s1;
	s8 =	simm.s32 @!p0 $0x1BF5;
	p2 =	por !p2, p0  }
0x20: {  	[sflag:s8] =	ssyncset.s32 @!p0 $0xFFFFF086;
	s6 =	sadd.s32 @!p0 s3, s7;
	s7 =	simm.s32 @!p0 $0x108  }
0x21: {  	s3 =	sadd.s32 s3, s9;
	s6 =	sadd.s32 @!p0 $0x88, s6;
	s7 =	simm.s32 @p2 $0x1082  }
0x22: {  	[simem:s7], [sflag:s8] =	dma.local @!p0 [hbm:s6], $0xF7A  }
0x23: {  	s9 =	sor.u32 $0xD0000000, s2;
	s6 =	simm.s32 $0x108;
	_ =	swait.ge @!p0 [sflag:s8], $0x0  }
0x24: {  	s3 =	sadd.s32 $0x88, s3;
	s6 =	simm.s32 @!p1 $0x1082;
	[sflag:s4] =	ssyncset.s32 $0xFFFFF086  }
0x25: {  	[simem:s6], [sflag:s4] =	dma.local [hbm:s3], $0xF7A  }
0x26: {  	[smem:$0x3F9B] =	sst s1;
	(tag) =	ssettag s2;
	_ =	strace s9  }
0x27: {  	s1 =	sld [smem:$0x3FAB]  }
0x28: {  	s2 =	sld [smem:$0x3FAC]  }
0x29: {  	s4 =	sld [smem:$0x3FAE]  }
0x2a: {  	p0 =	seq.s32 s5, $0x0;
	s5 =	sld [smem:$0x3FAF]  }
0x2b: {  	s6 =	sld [smem:$0x3FB0]  }
0x2c: {  	s7 =	sld [smem:$0x3FB1]  }
0x2d: {  	s3 =	simm.s32 $0x108;
	s8 =	sld [smem:$0x3FB2]  }
0x2e: {  	s3 =	simm.s32 @!p0 $0x1082;
	s9 =	sld [smem:$0x3FB3]  }
0x2f: {  	lr =	sadd.s32 s0, s3;
	s0 =	sld [smem:$0x3FAA]  }
0x30: {  	s3 =	sld [smem:$0x3FAD]  }
0x31: {  	[smem:$0x3FB6] =	sst s10  }
0x32: {  	s10 =	sld [smem:$0x3FB4];
	_ =	sdelay $0x3  }
0x33: {  	p0 =	seq.s32 s10, $0x1;
	s10 =	sld [smem:$0x3FB6];
	_ =	sdelay $0x3  }
0x34: {  	[smem:$0x3FB6] =	sst s10  }
0x35: {  	s10 =	sld [smem:$0x3FB5];
	_ =	sdelay $0x3  }
0x36: {  	p1 =	seq.s32 s10, $0x1;
	s10 =	sld [smem:$0x3FB6];
	_ =	sdelay $0x3  }
0x37: {  	[smem:$0x3FB6] =	sst s10  }
0x38: {  	s10 =	sld [smem:$0x3FB7]  }
0x39: {  	_ = 	snop;
	(pc) =	sbr.ind lr, $3  }
0x3a: {  	_ = 	snop  }
0x3b: {  	_ = 	snop  }
0x3c: {  	p2 =	seq.s32 s10, $0x1;
	s10 =	sld [smem:$0x3FB6]  }
0x3d: {  	_ =	shalt  }
0x3e: {  	_ =	shalt  }
0x3f: {  	_ =	shalt  }
0x40: {  	_ =	shalt  }
0x41: {  	_ =	shalt  }
0x42: {  	_ =	shalt  }
0x43: {  	_ =	shalt  }
0x44: {  	_ =	shalt  }
0x45: {  	_ =	shalt  }
0x46: {  	_ =	shalt  }
0x47: {  	_ =	shalt  }
0x48: {  	_ =	shalt  }
0x49: {  	_ =	shalt  }
0x4a: {  	_ =	shalt  }
0x4b: {  	_ =	shalt  }
0x4c: {  	_ =	shalt  }
0x4d: {  	_ =	shalt  }
0x4e: {  	_ =	shalt  }
0x4f: {  	_ =	shalt  }
0x50: {  	_ =	shalt  }
0x51: {  	_ =	shalt  }
0x52: {  	_ =	shalt  }
0x53: {  	_ =	shalt  }
0x54: {  	_ =	shalt  }
0x55: {  	_ =	shalt  }
0x56: {  	_ =	shalt  }
0x57: {  	_ =	shalt  }
0x58: {  	_ =	shalt  }
0x59: {  	_ =	shalt  }
0x5a: {  	_ =	shalt  }
0x5b: {  	_ =	shalt  }
0x5c: {  	_ =	shalt  }
0x5d: {  	_ =	shalt  }
0x5e: {  	_ =	shalt  }
0x5f: {  	_ =	shalt  }
0x60: {  	_ =	shalt  }
0x61: {  	_ =	shalt  }
0x62: {  	_ =	shalt  }
0x63: {  	_ =	shalt  }
0x64: {  	_ =	shalt  }
0x65: {  	_ =	shalt  }
0x66: {  	_ =	shalt  }
0x67: {  	_ =	shalt  }
0x68: {  	_ =	shalt  }
0x69: {  	_ =	shalt  }
0x6a: {  	_ =	shalt  }
0x6b: {  	_ =	shalt  }
0x6c: {  	_ =	shalt  }
0x6d: {  	_ =	shalt  }
0x6e: {  	_ =	shalt  }
0x6f: {  	_ =	shalt  }
0x70: {  	_ =	shalt  }
0x71: {  	_ =	shalt  }
0x72: {  	_ =	shalt  }
0x73: {  	_ =	shalt  }
0x74: {  	_ =	shalt  }
0x75: {  	_ =	shalt  }
0x76: {  	_ =	shalt  }
0x77: {  	_ =	shalt  }
0x78: {  	_ =	shalt  }
0x79: {  	_ =	shalt  }
0x7a: {  	_ =	shalt  }
0x7b: {  	_ =	shalt  }
0x7c: {  	_ =	shalt  }
0x7d: {  	_ =	shalt  }
0x7e: {  	_ =	shalt  }
0x7f: {  	_ =	shalt  }
0x80: {  	_ =	shalt  }
0x81: {  	_ =	shalt  }
0x82: {  	_ =	shalt  }
0x83: {  	_ =	shalt  }
0x84: {  	_ =	shalt  }
0x85: {  	_ =	shalt  }
0x86: {  	_ =	shalt  }
0x87: {  	_ =	shalt  }
.Lfunc_end0:
.L_simem_size_0:
called_computation_lowered:
.L_overlay_start_0:
0x88: {  	s2 =	sld [smem:$0x3FD9]  }
0x89: {  	s3 =	sld [smem:$0x3FFE];
	_ =	sdelay $0x1  }
0x8a: {  	s1 =	srdreg.scid  }
0x8b: {  	s0 =	sand.u32 $0x1, s1  }
0x8c: {  	s16 =	sshll.u32 s0, $0xA;
	s2 =	sadd.s32 s3, s2  }
0x8d: {  	s2 =	sadd.s32 s2, s16  }
0x8e: {  	[smem:$0x3FC2] =	sst s2  }
0x8f: {  	_ = 	snop  }
0x90: {  	(tm) =	ssettm $0x1  }
0x91: {  	s17 =	sld [smem:$0x3FFB];
	_ =	sdelay $0x3  }
0x92: {  	_ =	strace s17  }
0x93: {  	s2 =	sld [smem:$0x3FFC];
	_ =	sdelay $0x3  }
0x94: {  	_ =	strace s2  }
0x95: {  	s2 =	sld [smem:$0x3FFD];
	_ =	sdelay $0x3  }
0x96: {  	_ =	strace s2  }
0x97: {  	_ =	strace $0x8FFFFFFF  }
0x98: {  	s18 =	sld [smem:$0x3FDB];
	_ =	sdelay $0x1  }
0x99: {  	s19 =	simm.s32 $_scs_section_size  }
0x9a: {  	s4 =	simm.s32 $_size__tile_overlayer_lowered;
	s5 =	simm.s32 $_tile_overlayer_lowered  }
0x9b: {  	s22 =	simm.s32 $0x1BFF;
	s21 =	sshll.u32 s5, $0x1;
	s2 =	sadd.s32 s19, s18  }
0x9c: {  	s6 =	simm.s32 $0x0;
	s20 =	sshll.u32 s4, $0x1;
	s4 =	sadd.s32 s21, s2  }
0x9d: {  	[timem:s6], [sflag:s22] =	dma.local [hbm:s4], s20  }
0x9e: {  	_ =	swait.ge [sflag:s22], s20  }
0x9f: {  	s3 =	ssub.s32 $0x0, s20;
	[sflag:s22] =	ssyncset.done $0x0  }
0xa0: {  	[sflag:s22] =	ssyncadd.s32 s3;
	_ =	sdelay $0x1  }
0xa1: {  	s23 =	simm.s32 $0x1B8B  }
0xa2: {  	_ =	swait.ge [sflag:s23], $0x1  }
0xa3: {  	[sflag:s23] =	ssyncset.done $0x0  }
0xa4: {  	s25 =	simm.s32 $0x1B8E;
	s24 =	sld [smem:$0x3FFE];
	[sflag:s23] =	ssyncadd.s32 $0xFFFFFFFF  }
0xa5: {  	s26 =	simm.s32 $execute0_lowered;
	[smem:$0x3FD2] =	sst s25  }
0xa6: {  	s4 =	sshll.u32 s26, $0x1;
	_ =	strace $0x80000046;
	[dreg:$0x1] =	wrdreg $0xFFFFFFFF  }
0xa7: {  	s28 =	simm.s32 $_size_execute0_lowered;
	s2 =	sadd.s32 s2, s4;
	[dreg:$0x0] =	wrdreg $0x0  }
0xa8: {  	s4 =	sshll.u32 s28, $0x1;
	[dreg:$0x2] =	wrdreg s2  }
0xa9: {  	[dreg:$0x3] =	wrdreg s4  }
0xaa: {  	[dreg:$0x4] =	wrdreg $0xC0  }
0xab: {  	_ =	task [dreg:s6], $0x5FFFF  }
0xac: {  	[dreg:$0x1] =	wrdreg $0xFFFFFFFF  }
0xad: {  	[dreg:$0x0] =	wrdreg $0x60  }
0xae: {  	[dreg:$0x2] =	wrdreg s24  }
0xaf: {  	[dreg:$0x3] =	wrdreg $0x9  }
0xb0: {  	_ =	task.clear_ibuf [dreg:s6], $0x4FFFF;
	_ =	strace $0x90000046  }
0xb1: {  	s29 =	simm.s32 $0x9;
	_ =	strace $0x80000048  }
0xb2: {  	_ =	swait.ge [sflag:s29], $0x1  }
0xb3: {  	[sflag:s29] =	ssyncadd.s32 $0xFFFFFFFF  }
0xb4: {  	_ =	strace $0x90000048  }
0xb5: {  	_ =	sfence  }
0xb6: {  	s30 =	sld [smem:$0x0];
	_ =	sdelay $0x2  }
0xb7: {  	s31 =	sshll.u32 s1, $0xD;
	s1 =	sshrl.u32 s1, $0x2  }
0xb8: {  	s3 =	sand.u32 $0x4000, s31;
	s1 =	sadd.s32 s1, s30  }
0xb9: {  	s0 =	sor.u32 s3, s0;
	s1 =	sshll.u32 s1, $0x11  }
0xba: {  	s0 =	sor.u32 s1, s0  }
0xbb: {  	s0 =	sadd.s32 $0x8F2B, s0  }
0xbc: {  	[sflag:s0] =	ssyncadd.remote.s32 $0x1  }
0xbd: {  	_ =	sfence.sel $0xFFFF  }
0xbe: {  	[dreg:$0x0] =	wrdreg $0xFFFFFFFF;
	(pc) =	sbr.abs _section_cstart, $3  }
0xbf: {  	[dreg:$0x1] =	wrdreg $0xFFFFFFFF  }
0xc0: {  	_ =	task.clear_ibuf [dreg:s6], $0x2FFFF;
	_ =	strace $0x9FFFFFFF  }
0xc1: {  	(tm) =	ssettm $0x7FFFFFFF  }
tec
execute0_lowered:
.L_overlay_start_1:
0x0: {  	(tag) =	ssettag $0x1  }
0x1: {  	s0 =	srdreg.scid  }
0x2: {  	s3 =	sand.u32 $0x1, s0  }
0x3: {  	s4 =	rddreg [dreg:$0x0];
	s0 =	stileid.u32;
	s1 =	sshll.u32 s3, $0x4  }
0x4: {  	s2 =	simm.s32 $0x0;
	s8 =	simm.s32 $0x80;
	s5 =	sor.u32 s0, s1  }
0x5: {  	s9 =	simm.s32 $0x400;
	[smem:$0x7FF] =	sst s2;
	s6 =	sshrl.u32 s5, $0x3  }
0x6: {  	s7 =	sshll.u32 s0, $0x7;
	s3 =	ssub.s32 $0x2, s3;
	s6 =	smul.u32 $0x13C00, s6  }
0x7: {  	s1 =	rddreg [dreg:$0x1];
	s7 =	sand.u32 $0x380, s7;
	s5 =	smul.u32 $0x500, s5  }
0x8: {  	_ =	strace $0x80000047;
	s30 =	sshrl.u32 s3, $0x1;
	s6 =	sor.u32 s7, s6  }
0x9: {  	s31 =	ssub.s32 s3, s30;
	s5 =	sadd.s32 s5, s4;
	s6 =	sshrl.u32 s6, $0x3  }
0xa: {  	s3 =	sadd.s32 $0x1600, s5;
	s5 =	smax.u32 s31, $0x1;
	s4 =	sadd.s32 s6, s4  }
0xb: {  	v0 =	vimm.f32 $0.0e+00;
	v1 =	vimm.f32 $1.000000000e+00;
	s7 =	simm.s32 $0x2800;
	s6 =	simm.s32 $0x1;
	s4 =	sadd.s32 $0xB600, s4  }
.LBB2_1:
0xc: {  	s10 =	simm.s32 $0x40;
	s11 =	simm.s32 $0x0  }
.LBB2_2:
0xd: {  	p0 =	sne.s32 s10, $0x9DC0;
	[tilespmem:s11+$0x2800] =	vst v0;
	s11 =	smov.u32 s10;
	s10 =	sadd.s32 $0x40, s10  }
.Ltmp0:
0xe: {  	(pc) =	sbr.rel @p0 .LBB2_2-.Ltmp0, $2  }
0xf: {  	_ =	sdelay $0x2  }
0x10: {  	s11 =	sshra.s32 s11, $0x2  }
0x11: {  	[tilespmem:s11+$0x2800] =	vst v0;
	s10 =	simm.s32 $0x0  }
0x12: {  	[tilespmem:s10], [sflag:$0x1] =	stream.linear.gather [hbm4b:s3+s10], $0x2800, $0x38;
	[tilespmem:$0x4F80] =	vst v63  }
0x13: {  	_ =	swait.ge [sflag:s6], $0x2800  }
0x14: {  	[sflag:s6] =	ssyncset.done $0x0  }
0x15: {  	[sflag:s6] =	ssyncadd.s32 $0xFFFFD800  }
.LBB2_4:
0x16: {  	s11 =	sshra.s32 s10, $0x2  }
0x17: {  	v2 =	vld [tilespmem:s11+$0x0];
	_ =	sdelay $0x7  }
0x18: {  	[tilespmem:v2+s7+$0x0] =	vst.idx.add.f32.msk $0xffff, v1  }
0x19: {  	v2 =	vld [tilespmem:s11+$0x10];
	_ =	sdelay $0x7  }
0x1a: {  	[tilespmem:v2+s7+$0x0] =	vst.idx.add.f32.msk $0xffff, v1  }
0x1b: {  	v2 =	vld [tilespmem:s11+$0x20];
	_ =	sdelay $0x7  }
0x1c: {  	[tilespmem:v2+s7+$0x0] =	vst.idx.add.f32.msk $0xffff, v1  }
0x1d: {  	v2 =	vld [tilespmem:s11+$0x30];
	_ =	sdelay $0x7  }
0x1e: {  	[tilespmem:v2+s7+$0x0] =	vst.idx.add.f32.msk $0xffff, v1  }
0x1f: {  	v2 =	vld [tilespmem:s11+$0x40];
	_ =	sdelay $0x7  }
0x20: {  	[tilespmem:v2+s7+$0x0] =	vst.idx.add.f32.msk $0xffff, v1  }
0x21: {  	v2 =	vld [tilespmem:s11+$0x50];
	_ =	sdelay $0x7  }
0x22: {  	[tilespmem:v2+s7+$0x0] =	vst.idx.add.f32.msk $0xffff, v1  }
0x23: {  	v2 =	vld [tilespmem:s11+$0x60];
	_ =	sdelay $0x7  }
0x24: {  	[tilespmem:v2+s7+$0x0] =	vst.idx.add.f32.msk $0xffff, v1  }
0x25: {  	v2 =	vld [tilespmem:s11+$0x70];
	_ =	sdelay $0x2  }
0x26: {  	p0 =	sne.s32 s10, $0x9E00  }
.Ltmp1:
0x27: {  	_ = 	snop;
	(pc) =	sbr.rel @p0 .LBB2_4-.Ltmp1, $2  }
0x28: {  	_ =	sdelay $0x2  }
0x29: {  	s10 =	sadd.s32 $0x200, s10;
	[tilespmem:v2+s7+$0x0] =	vst.idx.add.f32.msk $0xffff, v1  }
0x2a: {  	s2 =	sadd.s32 $0x1, s2  }
0x2b: {  	p0 =	sne.s32 s2, s5  }
.Ltmp2:
0x2c: {  	_ = 	snop;
	(pc) =	sbr.rel @p0 .LBB2_1-.Ltmp2, $4  }
0x2d: {  	[hbm4b:s4+s8] =	stream.strided.scatter [tilespmem:s7], [sflag:$0x1], $0x2780, s9, s8, $0x38;
	[tilespmem:$0x4F80] =	vst v63  }
0x2e: {  	_ =	swait.ge [sflag:s6], $0x2780  }
0x2f: {  	[sflag:s6] =	ssyncset.done $0x0  }
0x30: {  	[sflag:s6] =	ssyncadd.s32 $0xFFFFD880  }
0x31: {  	_ =	sfence.sel $0x180000  }
0x32: {  	[bflag:$0x0] =	sbarrier.arrive $0xFFFF  }
0x33: {  	p0 =	sne.s32 s0, $0x0;
	_ =	strace $0x90000047  }
0x34: {  	s0 =	sadd.s32 @!p0 $0x100000, s1;
	[bflag:$0x2] =	sbarrier.arrive $0xFFFF  }
0x35: {  	[sflag:s0] =	ssyncadd.tile.s32 @!p0 $0x1;
	_ =	shalt  }
.Lfunc_end2:
_tile_overlayer_lowered:
.L_overlay_start_2:
0x36: {  	(tag) =	ssettag $0x2  }
0x37: {  	s0 =	rddreg [dreg:$0x0];
	s2 =	stileid.u32  }
0x38: {  	s1 =	rddreg [dreg:$0x1];
	p0 =	sne.s32 s2, $0x0  }
0x39: {  	s3 =	rddreg [dreg:$0x2];
	[bflag:$0x3] =	sbarrier.arrive $0xFFFF;
	s2 =	simm.s32 @!p0 $0x1C01  }
0x3a: {  	[timem:s3], [sflag:s2] =	dma.local @!p0 [hbm:s0], s1  }
0x3b: {  	s0 =	simm.s32 @!p0 $0x1  }
0x3c: {  	_ =	swait.ge @!p0 [sflag:s0], s1  }
0x3d: {  	s1 =	ssub.s32 @!p0 $0x0, s1;
	[sflag:s0] =	ssyncset.done @!p0 $0x0  }
0x3e: {  	[sflag:s0] =	ssyncadd.s32 @!p0 s1  }
0x3f: {  	[bflag:$0x3] =	sbarrier.arrive $0xFFFF  }
0x40: {  	_ =	shalt  }

</sc_bundles>
